<compile_context>
chip_gen: v7x
topology: tpu7x:2x2x1
jax: 0.10.2.dev20260603
libtpu: 0.0.44.dev20260713+nightly
codegen_flags: <defaults>
</compile_context>

<pallas_src>
import functools

import jax
import jax.numpy as jnp
from jax import lax
from jax.experimental import pallas as pl
from jax.experimental.pallas import tpu as pltpu
from jax.experimental.pallas import tpu_sc as plsc

_MAX_BOXES = 20
_SCORE_THRESHOLD = 0.3
_IOU_THRESHOLD = 0.1
_NUM_CLASSES = 80
_N_BOXES = 20000
_L = 16
_NWORKERS = 32
_BIG = 2**30
_OUT_PAD = 32


def _sc_nms_body(scores_hbm, boxes_hbm, out_hbm, b_ref, s_ref, area_ref, obuf):
    wid = lax.axis_index("s") * 2 + lax.axis_index("c")
    pltpu.sync_copy(boxes_hbm, b_ref)

    iota16 = lax.iota(jnp.int32, _L)
    neg_inf = jnp.float32(-jnp.inf)
    neginf16 = jnp.full((_L,), neg_inf, jnp.float32)
    big16 = jnp.full((_L,), _BIG, jnp.int32)

    @plsc.parallel_loop(0, _N_BOXES, _L, unroll=4)
    def _area_chunk(i):
        by1 = b_ref[0, pl.ds(i, _L)]
        bx1 = b_ref[1, pl.ds(i, _L)]
        by2 = b_ref[2, pl.ds(i, _L)]
        bx2 = b_ref[3, pl.ds(i, _L)]
        area_ref[pl.ds(i, _L)] = (by2 - by1) * (bx2 - bx1)

    def process_class(c):
        pltpu.sync_copy(scores_hbm.at[c], s_ref)

        @plsc.parallel_loop(0, _N_BOXES, _L, unroll=4, carry=(neginf16, big16))
        def _thresh(i, carry):
            bv, bi = carry
            sv = s_ref[pl.ds(i, _L)]
            v = jnp.where(sv >= _SCORE_THRESHOLD, sv, neg_inf)
            s_ref[pl.ds(i, _L)] = v
            idxv = i + iota16
            better = (v > bv) | ((v == bv) & (idxv < bi))
            return (jnp.where(better, v, bv), jnp.where(better, idxv, bi))

        bestv0, besti0 = _thresh

        def iter_body(t, icarry):
            bestv, besti, out0, out1 = icarry
            m = jnp.max(bestv)
            ii = jnp.where(bestv == m, besti, big16)
            sel = jnp.min(ii)
            ok = m > neg_inf
            outval16 = jnp.broadcast_to(jnp.where(ok, sel, -1), (_L,))
            out0 = jnp.where(iota16 == t, outval16, out0)
            out1 = jnp.where(iota16 == t - _L, outval16, out1)
            sel16 = jnp.broadcast_to(jnp.where(ok, sel, 0), (_L,))
            okv = jnp.broadcast_to(ok, (_L,))

            sy1 = plsc.load_gather(b_ref, [jnp.zeros((_L,), jnp.int32), sel16])
            sx1 = plsc.load_gather(b_ref, [jnp.full((_L,), 1, jnp.int32), sel16])
            sy2 = plsc.load_gather(b_ref, [jnp.full((_L,), 2, jnp.int32), sel16])
            sx2 = plsc.load_gather(b_ref, [jnp.full((_L,), 3, jnp.int32), sel16])
            area_a = (sy2 - sy1) * (sx2 - sx1)

            @plsc.parallel_loop(0, _N_BOXES, _L, unroll=4, carry=(neginf16, big16))
            def _sweep(i, carry):
                bv, bi = carry
                sv = s_ref[pl.ds(i, _L)]
                by1 = b_ref[0, pl.ds(i, _L)]
                bx1 = b_ref[1, pl.ds(i, _L)]
                by2 = b_ref[2, pl.ds(i, _L)]
                bx2 = b_ref[3, pl.ds(i, _L)]
                ab = area_ref[pl.ds(i, _L)]
                iy1 = jnp.maximum(sy1, by1)
                ix1 = jnp.maximum(sx1, bx1)
                iy2 = jnp.minimum(sy2, by2)
                ix2 = jnp.minimum(sx2, bx2)
                inter = jnp.maximum(0.0, iy2 - iy1) * jnp.maximum(0.0, ix2 - ix1)
                iou = inter / (area_a + ab - inter + jnp.float32(1e-9))
                idxv = i + iota16
                kill = ((iou > _IOU_THRESHOLD) & okv) | (idxv == sel16)
                v = jnp.where(kill, neg_inf, sv)
                s_ref[pl.ds(i, _L)] = v
                better = (v > bv) | ((v == bv) & (idxv < bi))
                return (jnp.where(better, v, bv), jnp.where(better, idxv, bi))

            bestv, besti = _sweep
            return (bestv, besti, out0, out1)

        out_init = jnp.full((_L,), -1, jnp.int32)
        _, _, out0, out1 = lax.fori_loop(
            0, _MAX_BOXES, iter_body, (bestv0, besti0, out_init, out_init)
        )

        obuf[pl.ds(0, _L)] = out0
        obuf[pl.ds(_L, _L)] = out1
        pltpu.sync_copy(obuf, out_hbm.at[c])

    def class_body(r, _):
        c = wid + _NWORKERS * r

        @pl.when(c < _NUM_CLASSES)
        def _():
            process_class(c)

        return 0

    lax.fori_loop(0, 3, class_body, 0)


@functools.partial(
    pl.kernel,
    out_type=jax.ShapeDtypeStruct((_NUM_CLASSES, _OUT_PAD), jnp.int32),
    compiler_params=pltpu.CompilerParams(needs_layout_passes=False),
    mesh=plsc.VectorSubcoreMesh(core_axis_name="c", subcore_axis_name="s"),
    scratch_types=[
        pltpu.VMEM((4, _N_BOXES), jnp.float32),
        pltpu.VMEM((_N_BOXES,), jnp.float32),
        pltpu.VMEM((_N_BOXES,), jnp.float32),
        pltpu.VMEM((_OUT_PAD,), jnp.int32),
    ],
)
def _sc_nms(scores_hbm, boxes_hbm, out_hbm, b_ref, s_ref, area_ref, obuf):
    _sc_nms_body(scores_hbm, boxes_hbm, out_hbm, b_ref, s_ref, area_ref, obuf)


@jax.jit
def kernel(boxes, box_scores):
    scores_t = box_scores.T
    boxes_t = boxes.T

    nms_idx = _sc_nms(scores_t, boxes_t)[:, :_MAX_BOXES]

    classes = jnp.broadcast_to(
        jnp.arange(_NUM_CLASSES, dtype=jnp.int32)[:, None], nms_idx.shape
    )
    batch = jnp.zeros_like(nms_idx)
    valid = (nms_idx >= 0).reshape(-1, 1)
    nms_final = jnp.stack([batch, classes, nms_idx], axis=-1).reshape(-1, 3)
    nms_final = jnp.where(valid, nms_final, -1)
    return boxes[None], scores_t[None], nms_final[None]

# --- scband reference (transcript-rebuilt; emitter-appended) ---
"""Pipeline reference for scband-yolonmslayer-29557964931607 (READ-ONLY COPY).

The authoritative reference and input builder live on the scoring server;
editing this copy changes nothing except your own understanding.
"""

import jax, jax.numpy as jnp
import numpy as np

MAX_BOXES = 20
SCORE_THRESHOLD = 0.3
IOU_THRESHOLD = 0.1
NUM_CLASSES = 80
N_BOXES = 20000


def setup_inputs(seed: int = 0) -> dict:
    key = jax.random.key(seed)
    k1, k2 = jax.random.split(key)
    boxes = jax.random.uniform(k1, (N_BOXES, 4), dtype=jnp.float32)
    box_scores = jax.random.uniform(k2, (N_BOXES, NUM_CLASSES), dtype=jnp.float32)
    return {"boxes": boxes, "box_scores": box_scores}


def _iou(box, boxes):
    y1 = jnp.maximum(box[0], boxes[:, 0])
    x1 = jnp.maximum(box[1], boxes[:, 1])
    y2 = jnp.minimum(box[2], boxes[:, 2])
    x2 = jnp.minimum(box[3], boxes[:, 3])
    inter = jnp.maximum(0.0, y2 - y1) * jnp.maximum(0.0, x2 - x1)
    area_a = (box[2] - box[0]) * (box[3] - box[1])
    area_b = (boxes[:, 2] - boxes[:, 0]) * (boxes[:, 3] - boxes[:, 1])
    return inter / (area_a + area_b - inter + 1e-9)


def _nms_single_class(boxes, scores):
    # faithful greedy NMS (tf.image.non_max_suppression semantics) with
    # fixed max_boxes slots; invalid slots marked -1 (fixed-shape adaptation
    # of the variable-length boolean_mask path in the original layer)
    valid = scores >= SCORE_THRESHOLD
    s = jnp.where(valid, scores, -jnp.inf)
    selected = []
    for _ in range(MAX_BOXES):
        idx = jnp.argmax(s)
        val = s[idx]
        ok = jnp.isfinite(val)
        selected.append(jnp.where(ok, idx, -1).astype(jnp.int32))
        box = boxes[idx]
        ious = _iou(box, boxes)
        suppress = (ious > IOU_THRESHOLD) & ok
        s = jnp.where(suppress, -jnp.inf, s)
        s = s.at[idx].set(-jnp.inf)
    return jnp.stack(selected)


def reference(boxes, box_scores):
    # per-class NMS, vectorized over classes
    nms_idx = jax.vmap(_nms_single_class, in_axes=(None, 1))(boxes, box_scores)  # [C, max_boxes]
    classes = jnp.broadcast_to(
        jnp.arange(NUM_CLASSES, dtype=jnp.int32)[:, None], nms_idx.shape
    )
    batch = jnp.zeros_like(nms_idx)
    valid = (nms_idx >= 0).reshape(-1, 1)
    nms_final = jnp.stack([batch, classes, nms_idx], axis=-1).reshape(-1, 3)
    nms_final = jnp.where(valid, nms_final, -1)
    boxes_1 = boxes[None]                      # [1, N, 4]
    box_scores_transpose_1 = box_scores.T[None]  # [1, C, N]
    nms_final_1 = nms_final[None]              # [1, C*max_boxes, 3]
    return boxes_1, box_scores_transpose_1, nms_final_1

if __name__ == "__main__":
    import jax
    _d = setup_inputs()
    print(jax.jit(kernel)(*tuple(_d.values())))

</pallas_src>

<mosaic_0001>
#map = affine_map<(d0, d1) -> (0, 0)>
module attributes {stable_mosaic.version = 14 : i64} {
  func.func @_sc_nms(%arg0: i32, %arg1: i32, %arg2: memref<80x20000xf32, #tpu.memory_space<hbm>>, %arg3: memref<4x20000xf32, #tpu.memory_space<hbm>>, %arg4: memref<80x32xi32, #tpu.memory_space<hbm>>, %arg5: memref<4x20000xf32, #tpu.memory_space<vmem>>, %arg6: memref<20000xf32, #tpu.memory_space<vmem>>, %arg7: memref<20000xf32, #tpu.memory_space<vmem>>, %arg8: memref<32xi32, #tpu.memory_space<vmem>>) attributes {dimension_semantics = [#tpu.dimension_semantics<core_parallel>, #tpu.dimension_semantics<subcore_parallel>], iteration_bounds = array<i64: 2, 16>, scalar_prefetch = 0 : i64, scratch_operands = 4 : i64, tpu.core_type = #tpu.core_type<sc_vector_subcore>, window_params = [{transform_indices = #map}, {transform_indices = #map}, {transform_indices = #map}]} {
    %mul3A = arith.constant 2 : i32
    %mul3A_0 = arith.muli %arg1, %mul3A : i32
    %add3A = arith.addi %mul3A_0, %arg0 : i32
    "tpu.region"() ({
      %run_scoped3A = tpu.sem_alloc : memref<!tpu.dma_semaphore, #tpu.memory_space<semaphore_mem>>
      tpu.enqueue_dma source(%arg3 : memref<4x20000xf32, #tpu.memory_space<hbm>>) target(%arg5 : memref<4x20000xf32, #tpu.memory_space<vmem>>) target_semaphore(%run_scoped3A : memref<!tpu.dma_semaphore, #tpu.memory_space<semaphore_mem>>)
      tpu.wait_dma2 semaphore(%run_scoped3A : memref<!tpu.dma_semaphore, #tpu.memory_space<semaphore_mem>>) src(%arg3 : memref<4x20000xf32, #tpu.memory_space<hbm>>) dst(%arg5 : memref<4x20000xf32, #tpu.memory_space<vmem>>)
      tpu.yield
    }) : () -> ()
    %iota3A = tpu.iota {dimensions = array<i32: 0>} : vector<16xi32>
    %broadcast_in_dim3A = arith.constant 0xFF800000 : f32
    %broadcast_in_dim3A_1 = vector.broadcast %broadcast_in_dim3A : f32 to vector<16xf32>
    %broadcast_in_dim3A_2 = arith.constant 1073741824 : i32
    %broadcast_in_dim3A_3 = vector.broadcast %broadcast_in_dim3A_2 : i32 to vector<16xi32>
    %parallel_loop3A = arith.constant 0 : i32
    %parallel_loop3A_4 = arith.constant 20000 : i32
    %parallel_loop3A_5 = arith.constant 16 : i32
    scf.for %parallel_loop3A_13 = %parallel_loop3A to %parallel_loop3A_4 step %parallel_loop3A_5  : i32 {
      %parallel_loop3A_14 = arith.constant 0 : i32
      %parallel_loop3A_15 = arith.index_cast %parallel_loop3A_14 : i32 to index
      %parallel_loop3A_16 = arith.index_cast %parallel_loop3A_13 : i32 to index
      %parallel_loop3A_17 = tpu.vector_load %arg5[%parallel_loop3A_15, %parallel_loop3A_16] {strides = array<i32>} : memref<4x20000xf32, #tpu.memory_space<vmem>>, vector<16xf32>,
      %parallel_loop3A_18 = arith.constant 1 : i32
      %parallel_loop3A_19 = arith.index_cast %parallel_loop3A_18 : i32 to index
      %parallel_loop3A_20 = arith.index_cast %parallel_loop3A_13 : i32 to index
      %parallel_loop3A_21 = tpu.vector_load %arg5[%parallel_loop3A_19, %parallel_loop3A_20] {strides = array<i32>} : memref<4x20000xf32, #tpu.memory_space<vmem>>, vector<16xf32>,
      %parallel_loop3A_22 = arith.constant 2 : i32
      %parallel_loop3A_23 = arith.index_cast %parallel_loop3A_22 : i32 to index
      %parallel_loop3A_24 = arith.index_cast %parallel_loop3A_13 : i32 to index
      %parallel_loop3A_25 = tpu.vector_load %arg5[%parallel_loop3A_23, %parallel_loop3A_24] {strides = array<i32>} : memref<4x20000xf32, #tpu.memory_space<vmem>>, vector<16xf32>,
      %parallel_loop3A_26 = arith.constant 3 : i32
      %parallel_loop3A_27 = arith.index_cast %parallel_loop3A_26 : i32 to index
      %parallel_loop3A_28 = arith.index_cast %parallel_loop3A_13 : i32 to index
      %parallel_loop3A_29 = tpu.vector_load %arg5[%parallel_loop3A_27, %parallel_loop3A_28] {strides = array<i32>} : memref<4x20000xf32, #tpu.memory_space<vmem>>, vector<16xf32>,
      %parallel_loop3A_30 = arith.subf %parallel_loop3A_25, %parallel_loop3A_17 : vector<16xf32>
      %parallel_loop3A_31 = arith.subf %parallel_loop3A_29, %parallel_loop3A_21 : vector<16xf32>
      %parallel_loop3A_32 = arith.mulf %parallel_loop3A_30, %parallel_loop3A_31 : vector<16xf32>
      %parallel_loop3A_33 = arith.index_cast %parallel_loop3A_13 : i32 to index
      %parallel_loop3A_34 = tpu.vector_load %arg7[%parallel_loop3A_33] {strides = array<i32>} : memref<20000xf32, #tpu.memory_space<vmem>>, vector<16xf32>,
      tpu.vector_store %arg7[%parallel_loop3A_33], %parallel_loop3A_32 {strides = array<i32>} : memref<20000xf32, #tpu.memory_space<vmem>>, vector<16xf32>,
    } {sc.loop_unroll_factor = 4 : i64, sc.parallel_access}
    %scan3A = arith.constant 0xFF800000 : f32
    %scan3A_6 = arith.constant 0 : i32
    %scan3A_7 = arith.constant 0 : i32
    %scan3A_8 = arith.constant 3 : i32
    %scan3A_9 = arith.addi %scan3A_7, %scan3A_8 : i32
    %scan3A_10 = arith.constant 1 : i32
    %scan3A_11 = scf.for %scan3A_13 = %scan3A_7 to %scan3A_9 step %scan3A_10 iter_args(%scan3A_14 = %scan3A_6) -> (i32)  : i32 {
      %mul3A_15 = arith.constant 32 : i32
      %mul3A_16 = arith.muli %mul3A_15, %scan3A_13 : i32
      %add3A_17 = arith.addi %add3A, %mul3A_16 : i32
      %lt3A = arith.constant 80 : i32
      %lt3A_18 = arith.cmpi slt, %add3A_17, %lt3A : i32
      %convert_element_type3A = arith.extui %lt3A_18 : i1 to i32
      %cond3A = arith.constant 0 : i32
      %cond3A_19 = arith.cmpi ne, %convert_element_type3A, %cond3A : i32
      scf.if %cond3A_19 {
        "tpu.region"() ({
          %run_scoped3A = tpu.sem_alloc : memref<!tpu.dma_semaphore, #tpu.memory_space<semaphore_mem>>
          %dma_start3A = arith.constant 0 : i32
          %dma_start3A_36 = tpu.memref_slice %arg2[%add3A_17, %dma_start3A] : memref<80x20000xf32, #tpu.memory_space<hbm>> -> memref<1x20000xf32, #tpu.memory_space<hbm>>
          %dma_start3A_37 = tpu.memref_squeeze %dma_start3A_36 : memref<1x20000xf32, #tpu.memory_space<hbm>> -> memref<20000xf32, #tpu.memory_space<hbm>>
          %dma_start3A_38 = arith.constant 0 : i32
          %dma_start3A_39 = tpu.memref_slice %arg2[%add3A_17, %dma_start3A_38] : memref<80x20000xf32, #tpu.memory_space<hbm>> -> memref<1x20000xf32, #tpu.memory_space<hbm>>
          %dma_start3A_40 = tpu.memref_squeeze %dma_start3A_39 : memref<1x20000xf32, #tpu.memory_space<hbm>> -> memref<20000xf32, #tpu.memory_space<hbm>>
          tpu.enqueue_dma source(%dma_start3A_40 : memref<20000xf32, #tpu.memory_space<hbm>>) target(%arg6 : memref<20000xf32, #tpu.memory_space<vmem>>) target_semaphore(%run_scoped3A : memref<!tpu.dma_semaphore, #tpu.memory_space<semaphore_mem>>)
          %dma_wait3A = arith.constant 0 : i32
          %dma_wait3A_41 = tpu.memref_slice %arg2[%add3A_17, %dma_wait3A] : memref<80x20000xf32, #tpu.memory_space<hbm>> -> memref<1x20000xf32, #tpu.memory_space<hbm>>
          %dma_wait3A_42 = tpu.memref_squeeze %dma_wait3A_41 : memref<1x20000xf32, #tpu.memory_space<hbm>> -> memref<20000xf32, #tpu.memory_space<hbm>>
          %dma_wait3A_43 = arith.constant 0 : i32
          %dma_wait3A_44 = tpu.memref_slice %arg2[%add3A_17, %dma_wait3A_43] : memref<80x20000xf32, #tpu.memory_space<hbm>> -> memref<1x20000xf32, #tpu.memory_space<hbm>>
          %dma_wait3A_45 = tpu.memref_squeeze %dma_wait3A_44 : memref<1x20000xf32, #tpu.memory_space<hbm>> -> memref<20000xf32, #tpu.memory_space<hbm>>
          tpu.wait_dma2 semaphore(%run_scoped3A : memref<!tpu.dma_semaphore, #tpu.memory_space<semaphore_mem>>) src(%dma_wait3A_45 : memref<20000xf32, #tpu.memory_space<hbm>>) dst(%arg6 : memref<20000xf32, #tpu.memory_space<vmem>>)
          tpu.yield
        }) : () -> ()
        %parallel_loop3A_21 = arith.constant 0 : i32
        %parallel_loop3A_22 = arith.constant 20000 : i32
        %parallel_loop3A_23 = arith.constant 16 : i32
        %parallel_loop3A_24:2 = scf.for %parallel_loop3A_36 = %parallel_loop3A_21 to %parallel_loop3A_22 step %parallel_loop3A_23 iter_args(%parallel_loop3A_37 = %broadcast_in_dim3A_1, %parallel_loop3A_38 = %broadcast_in_dim3A_3) -> (vector<16xf32>, vector<16xi32>)  : i32 {
          %parallel_loop3A_39 = arith.index_cast %parallel_loop3A_36 : i32 to index
          %parallel_loop3A_40 = tpu.vector_load %arg6[%parallel_loop3A_39] {strides = array<i32>} : memref<20000xf32, #tpu.memory_space<vmem>>, vector<16xf32>,
          %parallel_loop3A_41 = arith.constant 3.000000e-01 : f32
          %parallel_loop3A_42 = vector.broadcast %parallel_loop3A_41 : f32 to vector<16xf32>
          %parallel_loop3A_43 = arith.cmpf oge, %parallel_loop3A_40, %parallel_loop3A_42 : vector<16xf32>
          %parallel_loop3A_44 = vector.broadcast %scan3A : f32 to vector<16xf32>
          %parallel_loop3A_45 = arith.select %parallel_loop3A_43, %parallel_loop3A_40, %parallel_loop3A_44 : vector<16xi1>, vector<16xf32>
          %parallel_loop3A_46 = arith.index_cast %parallel_loop3A_36 : i32 to index
          %parallel_loop3A_47 = tpu.vector_load %arg6[%parallel_loop3A_46] {strides = array<i32>} : memref<20000xf32, #tpu.memory_space<vmem>>, vector<16xf32>,
          tpu.vector_store %arg6[%parallel_loop3A_46], %parallel_loop3A_45 {strides = array<i32>} : memref<20000xf32, #tpu.memory_space<vmem>>, vector<16xf32>,
          %parallel_loop3A_48 = vector.broadcast %parallel_loop3A_36 : i32 to vector<16xi32>
          %parallel_loop3A_49 = arith.addi %parallel_loop3A_48, %iota3A : vector<16xi32>
          %parallel_loop3A_50 = arith.cmpf ogt, %parallel_loop3A_45, %parallel_loop3A_37 : vector<16xf32>
          %parallel_loop3A_51 = arith.cmpf oeq, %parallel_loop3A_45, %parallel_loop3A_37 : vector<16xf32>
          %parallel_loop3A_52 = arith.cmpi slt, %parallel_loop3A_49, %parallel_loop3A_38 : vector<16xi32>
          %parallel_loop3A_53 = arith.andi %parallel_loop3A_51, %parallel_loop3A_52 : vector<16xi1>
          %parallel_loop3A_54 = arith.ori %parallel_loop3A_50, %parallel_loop3A_53 : vector<16xi1>
          %parallel_loop3A_55 = arith.select %parallel_loop3A_54, %parallel_loop3A_45, %parallel_loop3A_37 : vector<16xi1>, vector<16xf32>
          %parallel_loop3A_56 = arith.select %parallel_loop3A_54, %parallel_loop3A_49, %parallel_loop3A_38 : vector<16xi1>, vector<16xi32>
          scf.yield %parallel_loop3A_55, %parallel_loop3A_56 : vector<16xf32>, vector<16xi32>
        } {sc.loop_unroll_factor = 4 : i64, sc.parallel_access}
        %broadcast_in_dim3A_25 = arith.constant -1 : i32
        %broadcast_in_dim3A_26 = vector.broadcast %broadcast_in_dim3A_25 : i32 to vector<16xi32>
        %scan3A_27 = arith.constant 0 : i32
        %scan3A_28 = arith.constant 20 : i32
        %scan3A_29 = arith.addi %scan3A_27, %scan3A_28 : i32
        %scan3A_30 = arith.constant 1 : i32
        %scan3A_31:4 = scf.for %scan3A_36 = %scan3A_27 to %scan3A_29 step %scan3A_30 iter_args(%scan3A_37 = %parallel_loop3A_24#0, %scan3A_38 = %parallel_loop3A_24#1, %scan3A_39 = %broadcast_in_dim3A_26, %scan3A_40 = %broadcast_in_dim3A_26) -> (vector<16xf32>, vector<16xi32>, vector<16xi32>, vector<16xi32>)  : i32 {
          %reduce_max3A = arith.constant true
          %reduce_max3A_41 = vector.broadcast %reduce_max3A : i1 to vector<16xi1>
          %reduce_max3A_42 = tpu.scan <max>, %scan3A_37 masked %reduce_max3A_41 : vector<16xf32>, vector<16xi1> -> vector<16xf32>
          %reduce_max3A_43 = vector.extract %reduce_max3A_42[15] : f32 from vector<16xf32>
          %eq3A = vector.broadcast %reduce_max3A_43 : f32 to vector<16xf32>
          %eq3A_44 = arith.cmpf oeq, %scan3A_37, %eq3A : vector<16xf32>
          %select_n3A = arith.select %eq3A_44, %scan3A_38, %broadcast_in_dim3A_3 : vector<16xi1>, vector<16xi32>
          %reduce_min3A = arith.constant true
          %reduce_min3A_45 = vector.broadcast %reduce_min3A : i1 to vector<16xi1>
          %reduce_min3A_46 = arith.constant -2147483648 : i32
          %reduce_min3A_47 = vector.broadcast %reduce_min3A_46 : i32 to vector<16xi32>
          %reduce_min3A_48 = arith.xori %select_n3A, %reduce_min3A_47 : vector<16xi32>
          %reduce_min3A_49 = tpu.scan <min>, %reduce_min3A_48 masked %reduce_min3A_45 : vector<16xi32>, vector<16xi1> -> vector<16xi32>
          %reduce_min3A_50 = arith.xori %reduce_min3A_49, %reduce_min3A_47 : vector<16xi32>
          %reduce_min3A_51 = vector.extract %reduce_min3A_50[15] : i32 from vector<16xi32>
          %gt3A = arith.cmpf ogt, %reduce_max3A_43, %scan3A : f32
          %jit3A = arith.constant -1 : i32
          %select_n3A_52 = arith.select %gt3A, %reduce_min3A_51, %jit3A : i32
          %broadcast_in_dim3A_53 = vector.broadcast %select_n3A_52 : i32 to vector<16xi32>
          %eq3A_54 = vector.broadcast %scan3A_36 : i32 to vector<16xi32>
          %eq3A_55 = arith.cmpi eq, %iota3A, %eq3A_54 : vector<16xi32>
          %select_n3A_56 = arith.select %eq3A_55, %broadcast_in_dim3A_53, %scan3A_39 : vector<16xi1>, vector<16xi32>
          %sub3A = arith.constant 16 : i32
          %sub3A_57 = arith.subi %scan3A_36, %sub3A : i32
          %eq3A_58 = vector.broadcast %sub3A_57 : i32 to vector<16xi32>
          %eq3A_59 = arith.cmpi eq, %iota3A, %eq3A_58 : vector<16xi32>
          %select_n3A_60 = arith.select %eq3A_59, %broadcast_in_dim3A_53, %scan3A_40 : vector<16xi1>, vector<16xi32>
          %jit3A_61 = arith.constant 0 : i32
          %select_n3A_62 = arith.select %gt3A, %reduce_min3A_51, %jit3A_61 : i32
          %broadcast_in_dim3A_63 = vector.broadcast %select_n3A_62 : i32 to vector<16xi32>
          %broadcast_in_dim3A_64 = vector.broadcast %gt3A : i1 to vector<16xi1>
          %broadcast_in_dim3A_65 = arith.constant 0 : i32
          %broadcast_in_dim3A_66 = vector.broadcast %broadcast_in_dim3A_65 : i32 to vector<16xi32>
          %gather3A = tpu.vector_load_idx %arg5[%broadcast_in_dim3A_66, %broadcast_in_dim3A_63] : memref<4x20000xf32, #tpu.memory_space<vmem>>[vector<16xi32>, vector<16xi32>], vector<16xf32>,
          %broadcast_in_dim3A_67 = arith.constant 1 : i32
          %broadcast_in_dim3A_68 = vector.broadcast %broadcast_in_dim3A_67 : i32 to vector<16xi32>
          %gather3A_69 = tpu.vector_load_idx %arg5[%broadcast_in_dim3A_68, %broadcast_in_dim3A_63] : memref<4x20000xf32, #tpu.memory_space<vmem>>[vector<16xi32>, vector<16xi32>], vector<16xf32>,
          %broadcast_in_dim3A_70 = arith.constant 2 : i32
          %broadcast_in_dim3A_71 = vector.broadcast %broadcast_in_dim3A_70 : i32 to vector<16xi32>
          %gather3A_72 = tpu.vector_load_idx %arg5[%broadcast_in_dim3A_71, %broadcast_in_dim3A_63] : memref<4x20000xf32, #tpu.memory_space<vmem>>[vector<16xi32>, vector<16xi32>], vector<16xf32>,
          %broadcast_in_dim3A_73 = arith.constant 3 : i32
          %broadcast_in_dim3A_74 = vector.broadcast %broadcast_in_dim3A_73 : i32 to vector<16xi32>
          %gather3A_75 = tpu.vector_load_idx %arg5[%broadcast_in_dim3A_74, %broadcast_in_dim3A_63] : memref<4x20000xf32, #tpu.memory_space<vmem>>[vector<16xi32>, vector<16xi32>], vector<16xf32>,
          %sub3A_76 = arith.subf %gather3A_72, %gather3A : vector<16xf32>
          %sub3A_77 = arith.subf %gather3A_75, %gather3A_69 : vector<16xf32>
          %mul3A_78 = arith.mulf %sub3A_76, %sub3A_77 : vector<16xf32>
          %parallel_loop3A_79 = arith.constant 0 : i32
          %parallel_loop3A_80 = arith.constant 20000 : i32
          %parallel_loop3A_81 = arith.constant 16 : i32
          %parallel_loop3A_82:2 = scf.for %parallel_loop3A_83 = %parallel_loop3A_79 to %parallel_loop3A_80 step %parallel_loop3A_81 iter_args(%parallel_loop3A_84 = %broadcast_in_dim3A_1, %parallel_loop3A_85 = %broadcast_in_dim3A_3) -> (vector<16xf32>, vector<16xi32>)  : i32 {
            %parallel_loop3A_86 = arith.index_cast %parallel_loop3A_83 : i32 to index
            %parallel_loop3A_87 = tpu.vector_load %arg6[%parallel_loop3A_86] {strides = array<i32>} : memref<20000xf32, #tpu.memory_space<vmem>>, vector<16xf32>,
            %parallel_loop3A_88 = arith.constant 0 : i32
            %parallel_loop3A_89 = arith.index_cast %parallel_loop3A_88 : i32 to index
            %parallel_loop3A_90 = arith.index_cast %parallel_loop3A_83 : i32 to index
            %parallel_loop3A_91 = tpu.vector_load %arg5[%parallel_loop3A_89, %parallel_loop3A_90] {strides = array<i32>} : memref<4x20000xf32, #tpu.memory_space<vmem>>, vector<16xf32>,
            %parallel_loop3A_92 = arith.constant 1 : i32
            %parallel_loop3A_93 = arith.index_cast %parallel_loop3A_92 : i32 to index
            %parallel_loop3A_94 = arith.index_cast %parallel_loop3A_83 : i32 to index
            %parallel_loop3A_95 = tpu.vector_load %arg5[%parallel_loop3A_93, %parallel_loop3A_94] {strides = array<i32>} : memref<4x20000xf32, #tpu.memory_space<vmem>>, vector<16xf32>,
            %parallel_loop3A_96 = arith.constant 2 : i32
            %parallel_loop3A_97 = arith.index_cast %parallel_loop3A_96 : i32 to index
            %parallel_loop3A_98 = arith.index_cast %parallel_loop3A_83 : i32 to index
            %parallel_loop3A_99 = tpu.vector_load %arg5[%parallel_loop3A_97, %parallel_loop3A_98] {strides = array<i32>} : memref<4x20000xf32, #tpu.memory_space<vmem>>, vector<16xf32>,
            %parallel_loop3A_100 = arith.constant 3 : i32
            %parallel_loop3A_101 = arith.index_cast %parallel_loop3A_100 : i32 to index
            %parallel_loop3A_102 = arith.index_cast %parallel_loop3A_83 : i32 to index
            %parallel_loop3A_103 = tpu.vector_load %arg5[%parallel_loop3A_101, %parallel_loop3A_102] {strides = array<i32>} : memref<4x20000xf32, #tpu.memory_space<vmem>>, vector<16xf32>,
            %parallel_loop3A_104 = arith.index_cast %parallel_loop3A_83 : i32 to index
            %parallel_loop3A_105 = tpu.vector_load %arg7[%parallel_loop3A_104] {strides = array<i32>} : memref<20000xf32, #tpu.memory_space<vmem>>, vector<16xf32>,
            %parallel_loop3A_106 = arith.maximumf %gather3A, %parallel_loop3A_91 : vector<16xf32>
            %parallel_loop3A_107 = arith.maximumf %gather3A_69, %parallel_loop3A_95 : vector<16xf32>
            %parallel_loop3A_108 = arith.minimumf %gather3A_72, %parallel_loop3A_99 : vector<16xf32>
            %parallel_loop3A_109 = arith.minimumf %gather3A_75, %parallel_loop3A_103 : vector<16xf32>
            %parallel_loop3A_110 = arith.subf %parallel_loop3A_108, %parallel_loop3A_106 : vector<16xf32>
            %parallel_loop3A_111 = arith.constant 0.000000e+00 : f32
            %parallel_loop3A_112 = vector.broadcast %parallel_loop3A_111 : f32 to vector<16xf32>
            %parallel_loop3A_113 = arith.maximumf %parallel_loop3A_112, %parallel_loop3A_110 : vector<16xf32>
            %parallel_loop3A_114 = arith.subf %parallel_loop3A_109, %parallel_loop3A_107 : vector<16xf32>
            %parallel_loop3A_115 = arith.constant 0.000000e+00 : f32
            %parallel_loop3A_116 = vector.broadcast %parallel_loop3A_115 : f32 to vector<16xf32>
            %parallel_loop3A_117 = arith.maximumf %parallel_loop3A_116, %parallel_loop3A_114 : vector<16xf32>
            %parallel_loop3A_118 = arith.mulf %parallel_loop3A_113, %parallel_loop3A_117 : vector<16xf32>
            %parallel_loop3A_119 = arith.addf %mul3A_78, %parallel_loop3A_105 : vector<16xf32>
            %parallel_loop3A_120 = arith.subf %parallel_loop3A_119, %parallel_loop3A_118 : vector<16xf32>
            %parallel_loop3A_121 = arith.constant 9.99999971E-10 : f32
            %parallel_loop3A_122 = vector.broadcast %parallel_loop3A_121 : f32 to vector<16xf32>
            %parallel_loop3A_123 = arith.addf %parallel_loop3A_120, %parallel_loop3A_122 : vector<16xf32>
            %parallel_loop3A_124 = arith.divf %parallel_loop3A_118, %parallel_loop3A_123 : vector<16xf32>
            %parallel_loop3A_125 = vector.broadcast %parallel_loop3A_83 : i32 to vector<16xi32>
            %parallel_loop3A_126 = arith.addi %parallel_loop3A_125, %iota3A : vector<16xi32>
            %parallel_loop3A_127 = arith.constant 1.000000e-01 : f32
            %parallel_loop3A_128 = vector.broadcast %parallel_loop3A_127 : f32 to vector<16xf32>
            %parallel_loop3A_129 = arith.cmpf ogt, %parallel_loop3A_124, %parallel_loop3A_128 : vector<16xf32>
            %parallel_loop3A_130 = arith.andi %parallel_loop3A_129, %broadcast_in_dim3A_64 : vector<16xi1>
            %parallel_loop3A_131 = arith.cmpi eq, %parallel_loop3A_126, %broadcast_in_dim3A_63 : vector<16xi32>
            %parallel_loop3A_132 = arith.ori %parallel_loop3A_130, %parallel_loop3A_131 : vector<16xi1>
            %parallel_loop3A_133 = vector.broadcast %scan3A : f32 to vector<16xf32>
            %parallel_loop3A_134 = arith.select %parallel_loop3A_132, %parallel_loop3A_133, %parallel_loop3A_87 : vector<16xi1>, vector<16xf32>
            %parallel_loop3A_135 = arith.index_cast %parallel_loop3A_83 : i32 to index
            %parallel_loop3A_136 = tpu.vector_load %arg6[%parallel_loop3A_135] {strides = array<i32>} : memref<20000xf32, #tpu.memory_space<vmem>>, vector<16xf32>,
            tpu.vector_store %arg6[%parallel_loop3A_135], %parallel_loop3A_134 {strides = array<i32>} : memref<20000xf32, #tpu.memory_space<vmem>>, vector<16xf32>,
            %parallel_loop3A_137 = arith.cmpf ogt, %parallel_loop3A_134, %parallel_loop3A_84 : vector<16xf32>
            %parallel_loop3A_138 = arith.cmpf oeq, %parallel_loop3A_134, %parallel_loop3A_84 : vector<16xf32>
            %parallel_loop3A_139 = arith.cmpi slt, %parallel_loop3A_126, %parallel_loop3A_85 : vector<16xi32>
            %parallel_loop3A_140 = arith.andi %parallel_loop3A_138, %parallel_loop3A_139 : vector<16xi1>
            %parallel_loop3A_141 = arith.ori %parallel_loop3A_137, %parallel_loop3A_140 : vector<16xi1>
            %parallel_loop3A_142 = arith.select %parallel_loop3A_141, %parallel_loop3A_134, %parallel_loop3A_84 : vector<16xi1>, vector<16xf32>
            %parallel_loop3A_143 = arith.select %parallel_loop3A_141, %parallel_loop3A_126, %parallel_loop3A_85 : vector<16xi1>, vector<16xi32>
            scf.yield %parallel_loop3A_142, %parallel_loop3A_143 : vector<16xf32>, vector<16xi32>
          } {sc.loop_unroll_factor = 4 : i64, sc.parallel_access}
          scf.yield %parallel_loop3A_82#0, %parallel_loop3A_82#1, %select_n3A_56, %select_n3A_60 : vector<16xf32>, vector<16xi32>, vector<16xi32>, vector<16xi32>
        }
        %scan3A_32 = arith.constant 20 : i32
        %swap3A = arith.constant 0 : index
        %swap3A_33 = tpu.vector_load %arg8[%swap3A] {strides = array<i32>} : memref<32xi32, #tpu.memory_space<vmem>>, vector<16xi32>,
        tpu.vector_store %arg8[%swap3A], %scan3A_31#2 {strides = array<i32>} : memref<32xi32, #tpu.memory_space<vmem>>, vector<16xi32>,
        %swap3A_34 = arith.constant 16 : index
        %swap3A_35 = tpu.vector_load %arg8[%swap3A_34] {strides = array<i32>} : memref<32xi32, #tpu.memory_space<vmem>>, vector<16xi32>,
        tpu.vector_store %arg8[%swap3A_34], %scan3A_31#3 {strides = array<i32>} : memref<32xi32, #tpu.memory_space<vmem>>, vector<16xi32>,
        "tpu.region"() ({
          %run_scoped3A = tpu.sem_alloc : memref<!tpu.dma_semaphore, #tpu.memory_space<semaphore_mem>>
          %dma_start3A = arith.constant 0 : i32
          %dma_start3A_36 = tpu.memref_slice %arg4[%add3A_17, %dma_start3A] : memref<80x32xi32, #tpu.memory_space<hbm>> -> memref<1x32xi32, #tpu.memory_space<hbm>>
          %dma_start3A_37 = tpu.memref_squeeze %dma_start3A_36 : memref<1x32xi32, #tpu.memory_space<hbm>> -> memref<32xi32, #tpu.memory_space<hbm>>
          %dma_start3A_38 = arith.constant 0 : i32
          %dma_start3A_39 = tpu.memref_slice %arg4[%add3A_17, %dma_start3A_38] : memref<80x32xi32, #tpu.memory_space<hbm>> -> memref<1x32xi32, #tpu.memory_space<hbm>>
          %dma_start3A_40 = tpu.memref_squeeze %dma_start3A_39 : memref<1x32xi32, #tpu.memory_space<hbm>> -> memref<32xi32, #tpu.memory_space<hbm>>
          tpu.enqueue_dma source(%arg8 : memref<32xi32, #tpu.memory_space<vmem>>) target(%dma_start3A_40 : memref<32xi32, #tpu.memory_space<hbm>>) target_semaphore(%run_scoped3A : memref<!tpu.dma_semaphore, #tpu.memory_space<semaphore_mem>>)
          %dma_wait3A = arith.constant 0 : i32
          %dma_wait3A_41 = tpu.memref_slice %arg4[%add3A_17, %dma_wait3A] : memref<80x32xi32, #tpu.memory_space<hbm>> -> memref<1x32xi32, #tpu.memory_space<hbm>>
          %dma_wait3A_42 = tpu.memref_squeeze %dma_wait3A_41 : memref<1x32xi32, #tpu.memory_space<hbm>> -> memref<32xi32, #tpu.memory_space<hbm>>
          %dma_wait3A_43 = arith.constant 0 : i32
          %dma_wait3A_44 = tpu.memref_slice %arg4[%add3A_17, %dma_wait3A_43] : memref<80x32xi32, #tpu.memory_space<hbm>> -> memref<1x32xi32, #tpu.memory_space<hbm>>
          %dma_wait3A_45 = tpu.memref_squeeze %dma_wait3A_44 : memref<1x32xi32, #tpu.memory_space<hbm>> -> memref<32xi32, #tpu.memory_space<hbm>>
          tpu.wait_dma2 semaphore(%run_scoped3A : memref<!tpu.dma_semaphore, #tpu.memory_space<semaphore_mem>>) src(%arg8 : memref<32xi32, #tpu.memory_space<vmem>>) dst(%dma_wait3A_45 : memref<32xi32, #tpu.memory_space<hbm>>)
          tpu.yield
        }) : () -> ()
      } else {
      }
      %scan3A_20 = arith.constant 0 : i32
      scf.yield %scan3A_20 : i32
    }
    %scan3A_12 = arith.constant 3 : i32
    return
  }
}

</mosaic_0001>

<sc_bundles>
// kernel: kernel.3.cloned.1.call-start
scs
__scs_entry_jumppad:
0x0: {  	(pc) =	sbr.rel $0x88, $3  }
0x1: {  	(tag) =	ssettag $0x0;
	lr =	simm.s32 $0x1  }
0x2: {  	[smem:$0x3F9F] =	sst lr;
	_ =	strace $0xD0000000  }
0x3: {  	_ = 	snop  }
0x4: {  	_ = 	snop  }
0x5: {  	_ = 	snop  }
0x6: {  	_ = 	snop  }
0x7: {  	_ = 	snop  }
__scs_overlays_trampoline_lowered:
0x8: {  	[smem:$0x3FAE] =	sst s0  }
0x9: {  	[smem:$0x3FAF] =	sst s1  }
0xa: {  	[smem:$0x3FB0] =	sst s2  }
0xb: {  	[smem:$0x3FB1] =	sst s3  }
0xc: {  	[smem:$0x3FB2] =	sst s4  }
0xd: {  	[smem:$0x3FB3] =	sst s5  }
0xe: {  	[smem:$0x3FB4] =	sst s6  }
0xf: {  	[smem:$0x3FB5] =	sst s7  }
0x10: {  	[smem:$0x3FB6] =	sst s8  }
0x11: {  	[smem:$0x3FB7] =	sst s9;
	s0 =	simm.s32 @!p0 $0x0  }
0x12: {  	s1 =	sld [smem:$0x3F9D];
	s0 =	simm.s32 @p0 $0x1  }
0x13: {  	[smem:$0x3FB8] =	sst s0;
	s0 =	simm.s32 @!p1 $0x0  }
0x14: {  	s2 =	sld [smem:$0x3F9C];
	s0 =	simm.s32 @p1 $0x1  }
0x15: {  	[smem:$0x3FB9] =	sst s0;
	s0 =	simm.s32 @!p2 $0x0  }
0x16: {  	s3 =	sld [smem:$0x3FDB];
	s0 =	simm.s32 @p2 $0x1  }
0x17: {  	s4 =	simm.s32 $0x1BF5;
	[smem:$0x3FBB] =	sst s0  }
0x18: {  	s0 =	sld [smem:$0x3F9E];
	_ =	swait.ge [sflag:s4], $0x0  }
0x19: {  	s7 =	sld [smem:$0x3F9F]  }
0x1a: {  	s8 =	sadd.s32 $0xFFFFE003, lr  }
0x1b: {  	s9 =	sadd.s32 $0xFFFFFEF7, lr;
	s5 =	simm.s32 $0xFFFFFFFF;
	p2 =	slt.u32 s8, $0xFFFFF086  }
0x1c: {  	p1 =	slt.u32 s9, $0xF7A;
	s5 =	simm.s32 @!p2 $0x0  }
0x1d: {  	s5 =	simm.s32 @p1 $0x1;
	p0 =	seq.s32 s7, s2  }
0x1e: {  	s7 =	smul.u32 @!p0 $0xF7A, s2;
	p2 =	seq.s32 @!p0 s5, $0x0  }
0x1f: {  	s9 =	smul.u32 $0xF7A, s1;
	s8 =	simm.s32 @!p0 $0x1BF5;
	p2 =	por !p2, p0  }
0x20: {  	[sflag:s8] =	ssyncset.s32 @!p0 $0xFFFFF086;
	s6 =	sadd.s32 @!p0 s3, s7;
	s7 =	simm.s32 @!p0 $0x108  }
0x21: {  	s3 =	sadd.s32 s3, s9;
	s6 =	sadd.s32 @!p0 $0x88, s6;
	s7 =	simm.s32 @p2 $0x1082  }
0x22: {  	[simem:s7], [sflag:s8] =	dma.local @!p0 [hbm:s6], $0xF7A  }
0x23: {  	s9 =	sor.u32 $0xD0000000, s2;
	s6 =	simm.s32 $0x108;
	_ =	swait.ge @!p0 [sflag:s8], $0x0  }
0x24: {  	s3 =	sadd.s32 $0x88, s3;
	s6 =	simm.s32 @!p1 $0x1082;
	[sflag:s4] =	ssyncset.s32 $0xFFFFF086  }
0x25: {  	[simem:s6], [sflag:s4] =	dma.local [hbm:s3], $0xF7A  }
0x26: {  	[smem:$0x3F9F] =	sst s1;
	(tag) =	ssettag s2;
	_ =	strace s9  }
0x27: {  	s1 =	sld [smem:$0x3FAF]  }
0x28: {  	s2 =	sld [smem:$0x3FB0]  }
0x29: {  	s4 =	sld [smem:$0x3FB2]  }
0x2a: {  	p0 =	seq.s32 s5, $0x0;
	s5 =	sld [smem:$0x3FB3]  }
0x2b: {  	s6 =	sld [smem:$0x3FB4]  }
0x2c: {  	s7 =	sld [smem:$0x3FB5]  }
0x2d: {  	s3 =	simm.s32 $0x108;
	s8 =	sld [smem:$0x3FB6]  }
0x2e: {  	s3 =	simm.s32 @!p0 $0x1082;
	s9 =	sld [smem:$0x3FB7]  }
0x2f: {  	lr =	sadd.s32 s0, s3;
	s0 =	sld [smem:$0x3FAE]  }
0x30: {  	s3 =	sld [smem:$0x3FB1]  }
0x31: {  	[smem:$0x3FBA] =	sst s10  }
0x32: {  	s10 =	sld [smem:$0x3FB8];
	_ =	sdelay $0x3  }
0x33: {  	p0 =	seq.s32 s10, $0x1;
	s10 =	sld [smem:$0x3FBA];
	_ =	sdelay $0x3  }
0x34: {  	[smem:$0x3FBA] =	sst s10  }
0x35: {  	s10 =	sld [smem:$0x3FB9];
	_ =	sdelay $0x3  }
0x36: {  	p1 =	seq.s32 s10, $0x1;
	s10 =	sld [smem:$0x3FBA];
	_ =	sdelay $0x3  }
0x37: {  	[smem:$0x3FBA] =	sst s10  }
0x38: {  	s10 =	sld [smem:$0x3FBB]  }
0x39: {  	_ = 	snop;
	(pc) =	sbr.ind lr, $3  }
0x3a: {  	_ = 	snop  }
0x3b: {  	_ = 	snop  }
0x3c: {  	p2 =	seq.s32 s10, $0x1;
	s10 =	sld [smem:$0x3FBA]  }
0x3d: {  	_ =	shalt  }
0x3e: {  	_ =	shalt  }
0x3f: {  	_ =	shalt  }
0x40: {  	_ =	shalt  }
0x41: {  	_ =	shalt  }
0x42: {  	_ =	shalt  }
0x43: {  	_ =	shalt  }
0x44: {  	_ =	shalt  }
0x45: {  	_ =	shalt  }
0x46: {  	_ =	shalt  }
0x47: {  	_ =	shalt  }
0x48: {  	_ =	shalt  }
0x49: {  	_ =	shalt  }
0x4a: {  	_ =	shalt  }
0x4b: {  	_ =	shalt  }
0x4c: {  	_ =	shalt  }
0x4d: {  	_ =	shalt  }
0x4e: {  	_ =	shalt  }
0x4f: {  	_ =	shalt  }
0x50: {  	_ =	shalt  }
0x51: {  	_ =	shalt  }
0x52: {  	_ =	shalt  }
0x53: {  	_ =	shalt  }
0x54: {  	_ =	shalt  }
0x55: {  	_ =	shalt  }
0x56: {  	_ =	shalt  }
0x57: {  	_ =	shalt  }
0x58: {  	_ =	shalt  }
0x59: {  	_ =	shalt  }
0x5a: {  	_ =	shalt  }
0x5b: {  	_ =	shalt  }
0x5c: {  	_ =	shalt  }
0x5d: {  	_ =	shalt  }
0x5e: {  	_ =	shalt  }
0x5f: {  	_ =	shalt  }
0x60: {  	_ =	shalt  }
0x61: {  	_ =	shalt  }
0x62: {  	_ =	shalt  }
0x63: {  	_ =	shalt  }
0x64: {  	_ =	shalt  }
0x65: {  	_ =	shalt  }
0x66: {  	_ =	shalt  }
0x67: {  	_ =	shalt  }
0x68: {  	_ =	shalt  }
0x69: {  	_ =	shalt  }
0x6a: {  	_ =	shalt  }
0x6b: {  	_ =	shalt  }
0x6c: {  	_ =	shalt  }
0x6d: {  	_ =	shalt  }
0x6e: {  	_ =	shalt  }
0x6f: {  	_ =	shalt  }
0x70: {  	_ =	shalt  }
0x71: {  	_ =	shalt  }
0x72: {  	_ =	shalt  }
0x73: {  	_ =	shalt  }
0x74: {  	_ =	shalt  }
0x75: {  	_ =	shalt  }
0x76: {  	_ =	shalt  }
0x77: {  	_ =	shalt  }
0x78: {  	_ =	shalt  }
0x79: {  	_ =	shalt  }
0x7a: {  	_ =	shalt  }
0x7b: {  	_ =	shalt  }
0x7c: {  	_ =	shalt  }
0x7d: {  	_ =	shalt  }
0x7e: {  	_ =	shalt  }
0x7f: {  	_ =	shalt  }
0x80: {  	_ =	shalt  }
0x81: {  	_ =	shalt  }
0x82: {  	_ =	shalt  }
0x83: {  	_ =	shalt  }
0x84: {  	_ =	shalt  }
0x85: {  	_ =	shalt  }
0x86: {  	_ =	shalt  }
0x87: {  	_ =	shalt  }
.Lfunc_end0:
.L_simem_size_0:
called_computation_lowered:
.L_overlay_start_0:
0x88: {  	s2 =	sld [smem:$0x3FD9]  }
0x89: {  	s3 =	sld [smem:$0x3FFE];
	_ =	sdelay $0x1  }
0x8a: {  	s1 =	srdreg.scid  }
0x8b: {  	s0 =	sand.u32 $0x1, s1  }
0x8c: {  	s15 =	sshll.u32 s0, $0xA;
	s2 =	sadd.s32 s3, s2  }
0x8d: {  	s2 =	sadd.s32 s2, s15  }
0x8e: {  	[smem:$0x3FC6] =	sst s2  }
0x8f: {  	_ = 	snop  }
0x90: {  	s2 =	sld [smem:$0x3FD0];
	_ =	sdelay $0x1  }
0x91: {  	s16 =	sld [smem:$0x3FC9]  }
0x92: {  	s5 =	simm.s32 $0xA;
	s6 =	simm.s32 $0x10;
	s4 =	sld [smem:$0x3FC8]  }
0x93: {  	[smem:s6], [sflag:s5] =	dma.local [hbm:s2], $0x1  }
0x94: {  	_ =	swait.eq [sflag:s5], $0x1  }
0x95: {  	[sflag:s5] =	ssyncset.done $0x0  }
0x96: {  	[sflag:s5] =	ssyncadd.s32 $0xFFFFFFFF  }
0x97: {  	s17 =	sld [smem:$0x10];
	(tm) =	ssettm $0x1  }
0x98: {  	s18 =	sld [smem:$0x3FFB];
	_ =	sdelay $0x3  }
0x99: {  	_ =	strace s18  }
0x9a: {  	s5 =	sld [smem:$0x3FFC];
	_ =	sdelay $0x3  }
0x9b: {  	_ =	strace s5  }
0x9c: {  	s5 =	sld [smem:$0x3FFD];
	_ =	sdelay $0x3  }
0x9d: {  	_ =	strace s5  }
0x9e: {  	_ =	strace $0x8FFFFFFF  }
0x9f: {  	s19 =	sld [smem:$0x3FDB];
	_ =	sdelay $0x1  }
0xa0: {  	s20 =	simm.s32 $_scs_section_size  }
0xa1: {  	s7 =	simm.s32 $_size__tile_overlayer_lowered;
	s8 =	simm.s32 $_tile_overlayer_lowered  }
0xa2: {  	s23 =	simm.s32 $0x1BFF;
	s22 =	sshll.u32 s8, $0x1;
	s5 =	sadd.s32 s20, s19  }
0xa3: {  	s9 =	simm.s32 $0x0;
	s21 =	sshll.u32 s7, $0x1;
	s7 =	sadd.s32 s22, s5  }
0xa4: {  	[timem:s9], [sflag:s23] =	dma.local [hbm:s7], s21  }
0xa5: {  	_ =	swait.ge [sflag:s23], s21  }
0xa6: {  	s6 =	ssub.s32 $0x0, s21;
	[sflag:s23] =	ssyncset.done $0x0  }
0xa7: {  	[sflag:s23] =	ssyncadd.s32 s6;
	_ =	sdelay $0x1  }
0xa8: {  	s24 =	simm.s32 $0x1B8B  }
0xa9: {  	_ =	swait.ge [sflag:s24], $0x1  }
0xaa: {  	[sflag:s24] =	ssyncset.done $0x0  }
0xab: {  	s25 =	simm.s32 $0x1B8E;
	[sflag:s24] =	ssyncadd.s32 $0xFFFFFFFF  }
0xac: {  	s26 =	simm.s32 $execute0_lowered;
	[smem:$0x3FD2] =	sst s25  }
0xad: {  	s6 =	sshll.u32 s26, $0x1;
	_ =	strace $0x80000046;
	[dreg:$0x1] =	wrdreg $0xFFFFFFFF  }
0xae: {  	s28 =	simm.s32 $_size_execute0_lowered;
	s5 =	sadd.s32 s5, s6;
	[dreg:$0x0] =	wrdreg $0x0  }
0xaf: {  	s6 =	sshll.u32 s28, $0x1;
	[dreg:$0x2] =	wrdreg s5  }
0xb0: {  	[dreg:$0x3] =	wrdreg s6  }
0xb1: {  	[dreg:$0x4] =	wrdreg $0xC0  }
0xb2: {  	_ =	task [dreg:s9], $0x5FFFF  }
0xb3: {  	[dreg:$0x1] =	wrdreg $0xFFFFFFFF  }
0xb4: {  	[dreg:$0x0] =	wrdreg $0x60  }
0xb5: {  	[dreg:$0x2] =	wrdreg s4  }
0xb6: {  	[dreg:$0x3] =	wrdreg s16  }
0xb7: {  	[dreg:$0x4] =	wrdreg s17  }
0xb8: {  	[dreg:$0x5] =	wrdreg $0x9  }
0xb9: {  	_ =	task.clear_ibuf [dreg:s9], $0x6FFFF;
	_ =	strace $0x90000046  }
0xba: {  	s29 =	simm.s32 $0x9;
	_ =	strace $0x80000048  }
0xbb: {  	_ =	swait.ge [sflag:s29], $0x1  }
0xbc: {  	[sflag:s29] =	ssyncadd.s32 $0xFFFFFFFF  }
0xbd: {  	_ =	strace $0x90000048  }
0xbe: {  	_ =	sfence  }
0xbf: {  	s30 =	sld [smem:$0x0];
	_ =	sdelay $0x2  }
0xc0: {  	s31 =	sshll.u32 s1, $0xD;
	s1 =	sshrl.u32 s1, $0x2  }
0xc1: {  	s3 =	sand.u32 $0x4000, s31;
	s1 =	sadd.s32 s1, s30  }
0xc2: {  	s0 =	sor.u32 s3, s0;
	s1 =	sshll.u32 s1, $0x11  }
0xc3: {  	s0 =	sor.u32 s1, s0  }
0xc4: {  	s0 =	sadd.s32 $0x8F2B, s0  }
0xc5: {  	[sflag:s0] =	ssyncadd.remote.s32 $0x1  }
0xc6: {  	_ =	sfence.sel $0xFFFF  }
0xc7: {  	[dreg:$0x0] =	wrdreg $0xFFFFFFFF;
	(pc) =	sbr.abs _section_cstart, $3  }
0xc8: {  	[dreg:$0x1] =	wrdreg $0xFFFFFFFF  }
0xc9: {  	_ =	task.clear_ibuf [dreg:s9], $0x2FFFF;
	_ =	strace $0x9FFFFFFF  }
0xca: {  	(tm) =	ssettm $0x7FFFFFFF  }
0xcb: {  	_ =	shalt  }
tec
execute0_lowered:
.L_overlay_start_1:
0x0: {  	(tag) =	ssettag $0x1  }
0x1: {  	s0 =	srdreg.scid;
	s1 =	stileid.u32  }
0x2: {  	s5 =	simm.s32 $0x0;
	s9 =	simm.s32 $0x1;
	s10 =	simm.s32 $0x80  }
0x3: {  	s11 =	simm.s32 $0x400;
	s12 =	simm.s32 $0x13A00;
	s0 =	sand.u32 $0x1, s0  }
.Ltmp0:
0x4: {  	s13 =	simm.s32 $0x2;
	s2 =	ssub.s32 $0x2, s0;
	(pc) =	sbr.rel .LBB2_1-.Ltmp0, $4  }
0x5: {  	s14 =	simm.s32 $0x1D700;
	s6 =	sshll.u32 s1, $0x1;
	s7 =	sshrl.u32 s2, $0x1  }
0x6: {  	[smem:$0x7FF] =	sst s5;
	s6 =	sor.u32 s0, s6;
	s30 =	ssub.s32 s2, s7  }
0x7: {  	s1 =	simm.s32 $0x0;
	s31 =	sshll.u32 s6, $0x7;
	s0 =	smax.u32 s30, $0x1  }
0x8: {  	v0 =	vlaneseq.u32;
	vm0 =	vmxor vm0, vm0;
	_ =	strace $0x80000047;
	s7 =	sand.u32 $0x380, s31;
	[dreg:$0x4] =	wrdreg s0  }
.LBB2_18:
0x9: {  	s1 =	rddreg [dreg:$0x5]  }
0xa: {  	s0 =	rddreg [dreg:$0x4];
	s1 =	sadd.s32 $0x1, s1  }
0xb: {  	p0 =	sne.s32 s1, s0  }
.Ltmp1:
0xc: {  	_ = 	snop;
	(pc) =	sbr.rel @!p0 .LBB2_19-.Ltmp1, $1  }
0xd: {  	_ =	sdelay $0x3  }
.LBB2_1:
0xe: {  	s0 =	rddreg [dreg:$0x1]  }
0xf: {  	[tilespmem:s5], [sflag:$0x1] =	stream.linear.gather [hbm4b:s0+s5], $0x13A00, $0x38;
	[tilespmem:$0x1D780] =	vst v63  }
0x10: {  	[dreg:$0x5] =	wrdreg s1;
	s0 =	simm.s32 $0x0  }
0x11: {  	_ =	swait.ge [sflag:s9], $0x13A00;
	s2 =	sand.u32 $0x40, s0  }
0x12: {  	s16 =	sand.u32 $0x1FE00, s5;
	[sflag:s9] =	ssyncset.done $0x0;
	s17 =	sor.u32 $0x30, s2  }
0x13: {  	[sflag:s9] =	ssyncadd.s32 $0xFFFEC600;
	s18 =	sor.u32 s17, s16  }
0x14: {  	v2 =	vld [tilespmem:s18+$0x0]  }
0x15: {  	v5 =	vld [tilespmem:s18+$0x80]  }
0x16: {  	s19 =	sor.u32 $0x10, s2;
	v6 =	vld [tilespmem:s18+$0x100]  }
0x17: {  	s20 =	sor.u32 s19, s16;
	v7 =	vld [tilespmem:s18+$0x180]  }
0x18: {  	v9 =	vld [tilespmem:s20+$0x0]  }
0x19: {  	v3 =	vld [tilespmem:s20+$0x80]  }
0x1a: {  	s22 =	sor.u32 $0x20, s2;
	v10 =	vld [tilespmem:s20+$0x100]  }
0x1b: {  	s23 =	sor.u32 s22, s16;
	v4 =	vld [tilespmem:s20+$0x180]  }
0x1c: {  	s31 =	sand.u32 $0x7F80, s0;
	v1 =	vld [tilespmem:s23+$0x0];
	v6 =	vsub.f32 v6, v2;
	v7 =	vsub.f32 v7, v5  }
0x1d: {  	s24 =	sadd.s32 $0x18880, s31;
	v2 =	vld [tilespmem:s23+$0x80]  }
0x1e: {  	s21 =	sor.u32 s19, s24;
	s19 =	simm.s32 $0x0;
	s18 =	sor.u32 s2, s16;
	v5 =	vld [tilespmem:s23+$0x100];
	v8 =	vmul.f32 v7, v6  }
0x1f: {  	s16 =	simm.s32 $0x0;
	s20 =	sor.u32 s22, s24;
	s22 =	sor.u32 s17, s24;
	v7 =	vsub.f32 v10, v9;
	v6 =	vld [tilespmem:s23+$0x180]  }
.LBB2_2:
0x20: {  	s0 =	sadd.s32 $0x40, s0;
	v9 =	vld [tilespmem:s18+$0x0];
	v3 =	vsub.f32 v4, v3;
	[tilespmem:s22+$0x0] =	vst v8;
	s2 =	simm.s32 $0x4DF0;
	s17 =	simm.s32 $0x13800  }
0x21: {  	s19 =	sadd.s32 $0x100, s19;
	s22 =	sand.u32 $0x40, s0;
	v4 =	vld [tilespmem:s18+$0x80]  }
0x22: {  	s23 =	sand.u32 $0x1FE00, s19;
	s24 =	sor.u32 $0x10, s22;
	s25 =	sor.u32 $0x30, s22;
	v8 =	vld [tilespmem:s18+$0x100];
	v3 =	vmul.f32 v3, v7  }
0x23: {  	s28 =	sor.u32 $0x20, s22;
	s26 =	sor.u32 s24, s23;
	s29 =	sor.u32 s25, s23;
	v7 =	vld [tilespmem:s18+$0x180];
	v1 =	vsub.f32 v5, v1  }
0x24: {  	s18 =	sor.u32 s22, s23;
	s22 =	sshra.s32 s19, $0x2;
	s23 =	sor.u32 s28, s23;
	v5 =	vld [tilespmem:s29+$0x0];
	[tilespmem:s21+$0x0] =	vst v3;
	v2 =	vsub.f32 v6, v2  }
0x25: {  	p0 =	slt.u32 s0, $0x4DC0;
	v6 =	vld [tilespmem:s29+$0x80]  }
0x26: {  	v10 =	vld [tilespmem:s29+$0x100];
	v1 =	vmul.f32 v2, v1  }
0x27: {  	v2 =	vld [tilespmem:s29+$0x180];
	v8 =	vsub.f32 v8, v9  }
0x28: {  	v9 =	vld [tilespmem:s26+$0x0];
	v4 =	vsub.f32 v7, v4;
	[tilespmem:s20+$0x0] =	vst v1  }
0x29: {  	v3 =	vld [tilespmem:s26+$0x80]  }
0x2a: {  	v7 =	vld [tilespmem:s26+$0x100];
	v8 =	vmul.f32 v4, v8  }
.Ltmp2:
0x2b: {  	v4 =	vld [tilespmem:s26+$0x180];
	(pc) =	sbr.rel @p0 .LBB2_2-.Ltmp2, $4  }
0x2c: {  	v10 =	vsub.f32 v10, v5;
	v1 =	vld [tilespmem:s23+$0x0];
	v6 =	vsub.f32 v2, v6;
	[tilespmem:s16+$0x18880] =	vst v8;
	s16 =	smov.u32 s22  }
0x2d: {  	s20 =	sand.u32 $0x7F80, s0;
	v2 =	vld [tilespmem:s23+$0x80]  }
0x2e: {  	s22 =	sadd.s32 $0x18880, s20;
	v5 =	vld [tilespmem:s23+$0x100];
	v8 =	vmul.f32 v6, v10  }
0x2f: {  	s21 =	sor.u32 s24, s22;
	s20 =	sor.u32 s28, s22;
	s22 =	sor.u32 s25, s22;
	v7 =	vsub.f32 v7, v9;
	v6 =	vld [tilespmem:s23+$0x180]  }
0x30: {  	v9 =	vld [tilespmem:s18+$0x0]  }
0x31: {  	v10 =	vld [tilespmem:s18+$0x80]  }
0x32: {  	v11 =	vld [tilespmem:s18+$0x100]  }
0x33: {  	v12 =	vld [tilespmem:s18+$0x180];
	_ =	sdelay $0x2  }
0x34: {  	v3 =	vsub.f32 v4, v3  }
0x35: {  	v1 =	vsub.f32 v5, v1;
	v2 =	vsub.f32 v6, v2  }
0x36: {  	v3 =	vmul.f32 v3, v7;
	v62 =	vsub.f32 v11, v9;
	v63 =	vsub.f32 v12, v10  }
0x37: {  	[tilespmem:s22+$0x0] =	vst v8;
	v1 =	vmul.f32 v2, v1  }
0x38: {  	[tilespmem:s21+$0x0] =	vst v3;
	v2 =	vmul.f32 v63, v62  }
0x39: {  	[tilespmem:s20+$0x0] =	vst v1  }
0x3a: {  	[tilespmem:s16+$0x18880] =	vst v2  }
.LBB2_4:
0x3b: {  	s0 =	sand.u32 $0x3FFFFE00, s17;
	s16 =	sshra.s32 s17, $0x2  }
0x3c: {  	s0 =	sadd.s32 s16, s0  }
0x3d: {  	v1 =	vld [tilespmem:s0+$0xFFFFB200]  }
0x3e: {  	v2 =	vld [tilespmem:s0+$0xFFFFB280]  }
0x3f: {  	v3 =	vld [tilespmem:s0+$0xFFFFB300]  }
0x40: {  	v4 =	vld [tilespmem:s0+$0xFFFFB380];
	_ =	sdelay $0x2  }
0x41: {  	s2 =	sadd.s32 $0x10, s2  }
0x42: {  	p0 =	slt.u32 s2, $0x4E10  }
.Ltmp3:
0x43: {  	v1 =	vsub.f32 v3, v1;
	v2 =	vsub.f32 v4, v2;
	(pc) =	sbr.rel @p0 .LBB2_4-.Ltmp3, $3  }
0x44: {  	_ = 	snop  }
0x45: {  	v1 =	vmul.f32 v2, v1;
	_ =	sdelay $0x1  }
0x46: {  	s17 =	sadd.s32 $0x40, s17;
	[tilespmem:s16+$0x18880] =	vst v1;
	s16 =	simm.s32 $0x0  }
.Ltmp4:
0x47: {  	_ = 	snop;
	(pc) =	sbr.rel .LBB2_5-.Ltmp4, $1  }
0x48: {  	_ =	sdelay $0x3  }
.LBB2_17:
0x49: {  	s16 =	sadd.s32 $0x1, s16  }
0x4a: {  	p0 =	sne.s32 s16, $0x3  }
.Ltmp5:
0x4b: {  	_ = 	snop;
	(pc) =	sbr.rel @!p0 .LBB2_18-.Ltmp5, $1  }
0x4c: {  	_ =	sdelay $0x3  }
.LBB2_5:
0x4d: {  	s0 =	sshll.u32 s16, $0x5  }
0x4e: {  	s0 =	sor.u32 s6, s0  }
0x4f: {  	p0 =	sgt.u32 s0, $0x4F  }
.Ltmp6:
0x50: {  	_ = 	snop;
	(pc) =	sbr.rel @p0 .LBB2_17-.Ltmp6, $1  }
0x51: {  	_ =	sdelay $0x3  }
0x52: {  	s17 =	sshrl.u32 s0, $0x3  }
0x53: {  	s0 =	smul.u32 $0x27400, s17;
	_ =	sdelay $0x1  }
0x54: {  	s0 =	sor.u32 s7, s0  }
0x55: {  	s1 =	rddreg [dreg:$0x0];
	s0 =	sshrl.u32 s0, $0x3  }
0x56: {  	s0 =	sadd.s32 s1, s0  }
0x57: {  	[tilespmem:s12], [sflag:$0x2] =	stream.strided.gather [hbm4b:s0+s10], $0x4E80, s11, s10, $0x38;
	[tilespmem:$0x1D780] =	vst v63  }
0x58: {  	_ =	swait.ge [sflag:s13], $0x4E80  }
0x59: {  	[sflag:s13] =	ssyncset.done $0x0  }
0x5a: {  	s0 =	simm.s32 $0x13A20;
	[sflag:s13] =	ssyncadd.s32 $0xFFFFB180  }
0x5b: {  	v1 =	vld [tilespmem:s0+$0xFFFFFFE0];
	_ =	sdelay $0x3  }
0x5c: {  	v2 =	vld [tilespmem:s0+$0xFFFFFFF0]  }
0x5d: {  	s2 =	simm.s32 $0x0;
	v3 =	vimm.f32 $-Inf;
	vm1 =	vge.f32 v1, $3.000000120e-01  }
0x5e: {  	v4 =	vimm.s32 $0x40000000;
	v5 =	vor.u32 s2, v0;
	v1 =	vnsel vm1, $0xFF800000, v1  }
0x5f: {  	vm2 =	vlt.s32 v5, v4;
	vm1 =	veq.f32 v1, v3  }
0x60: {  	s30 =	simm.s32 $0x10;
	vm3 =	vgt.f32 v1, v3;
	vm1 =	vmand vm2, vm1  }
0x61: {  	v7 =	vor.u32 s30, v0;
	vm2 =	vge.f32 v2, $3.000000120e-01;
	vm1 =	vmor vm3, vm1  }
0x62: {  	v6 =	vld [tilespmem:s0+$0x0];
	v2 =	vnsel vm2, $0xFF800000, v2;
	v8 =	vsel vm1, v1, v3;
	v5 =	vsel vm1, v5, v4  }
0x63: {  	vm1 =	veq.f32 v2, v8;
	vm2 =	vlt.s32 v7, v5  }
0x64: {  	vm3 =	vgt.f32 v2, v8;
	vm1 =	vmand vm1, vm2  }
0x65: {  	vm1 =	vmor vm3, vm1  }
0x66: {  	[tilespmem:s0+$0xFFFFFFF0] =	vst v2;
	v4 =	vsel vm1, v2, v8;
	v2 =	vld [tilespmem:s0+$0x10]  }
0x67: {  	s31 =	simm.s32 $0x20;
	vm2 =	vge.f32 v6, $3.000000120e-01  }
0x68: {  	v3 =	vor.u32 s31, v0;
	v6 =	vnsel vm2, $0xFF800000, v6;
	v5 =	vsel vm1, v7, v5  }
0x69: {  	s18 =	simm.s32 $0x13A60;
	[tilespmem:s0+$0xFFFFFFE0] =	vst v1;
	vm2 =	veq.f32 v6, v4;
	vm3 =	vlt.s32 v3, v5  }
0x6a: {  	s19 =	simm.s32 $0x40;
	s20 =	simm.s32 $0x80;
	s21 =	simm.s32 $0x30;
	v1 =	vld [tilespmem:s18+$0xFFFFFFE0];
	[tilespmem:s0+$0x0] =	vst v6;
	vm1 =	vgt.f32 v6, v4;
	vm2 =	vmand vm2, vm3  }
.LBB2_7:
0x6b: {  	p0 =	slt.u32 s20, $0x4DC0;
	vm1 =	vmor vm1, vm2;
	vm2 =	vge.f32 v2, $3.000000120e-01;
	v7 =	vor.u32 s21, v0  }
0x6c: {  	v4 =	vsel vm1, v6, v4;
	v3 =	vsel vm1, v3, v5;
	v2 =	vnsel vm2, $0xFF800000, v2  }
0x6d: {  	[tilespmem:s0+$0x10] =	vst v2;
	vm1 =	veq.f32 v2, v4;
	vm2 =	vlt.s32 v7, v3;
	s0 =	smov.u32 s18  }
0x6e: {  	vm3 =	vgt.f32 v2, v4;
	v5 =	vld [tilespmem:s18+$0xFFFFFFF0];
	vm1 =	vmand vm1, vm2  }
0x6f: {  	v6 =	vor.u32 s19, v0;
	vm2 =	vge.f32 v1, $3.000000120e-01;
	vm1 =	vmor vm3, vm1  }
0x70: {  	s2 =	simm.s32 $0x18800;
	v1 =	vnsel vm2, $0xFF800000, v1;
	v2 =	vsel vm1, v2, v4;
	v3 =	vsel vm1, v7, v3  }
0x71: {  	[tilespmem:s18+$0xFFFFFFE0] =	vst v1;
	vm1 =	veq.f32 v1, v2;
	vm2 =	vlt.s32 v6, v3  }
0x72: {  	s21 =	sadd.s32 $0x10, s19;
	vm3 =	vgt.f32 v1, v2;
	vm1 =	vmand vm2, vm1;
	v7 =	vld [tilespmem:s18+$0x0]  }
0x73: {  	v8 =	vor.u32 s21, v0;
	vm1 =	vmor vm3, vm1;
	vm2 =	vge.f32 v5, $3.000000120e-01  }
0x74: {  	v1 =	vsel vm1, v1, v2;
	v6 =	vsel vm1, v6, v3;
	v4 =	vnsel vm2, $0xFF800000, v5  }
0x75: {  	[tilespmem:s18+$0xFFFFFFF0] =	vst v4;
	vm1 =	veq.f32 v4, v1;
	vm2 =	vlt.s32 v8, v6  }
.Ltmp7:
0x76: {  	s21 =	sadd.s32 $0x20, s19;
	vm3 =	vgt.f32 v4, v1;
	vm1 =	vmand vm1, vm2;
	v2 =	vld [tilespmem:s18+$0x10];
	(pc) =	sbr.rel @p0 .LBB2_7-.Ltmp7, $4  }
0x77: {  	v3 =	vor.u32 s21, v0;
	vm1 =	vmor vm3, vm1;
	vm2 =	vge.f32 v7, $3.000000120e-01  }
0x78: {  	v4 =	vsel vm1, v4, v1;
	v5 =	vsel vm1, v8, v6;
	v6 =	vnsel vm2, $0xFF800000, v7  }
0x79: {  	s18 =	sadd.s32 $0x40, s18;
	[tilespmem:s0+$0x0] =	vst v6;
	vm2 =	veq.f32 v6, v4;
	vm3 =	vlt.s32 v3, v5  }
0x7a: {  	s21 =	sadd.s32 $0x30, s19;
	s19 =	smov.u32 s20;
	s20 =	sadd.s32 $0x40, s20;
	vm1 =	vgt.f32 v6, v4;
	v1 =	vld [tilespmem:s18+$0xFFFFFFE0];
	vm2 =	vmand vm2, vm3  }
0x7b: {  	vm1 =	vmor vm1, vm2;
	vm2 =	vge.f32 v2, $3.000000120e-01;
	v7 =	vor.u32 s21, v0  }
0x7c: {  	v4 =	vsel vm1, v6, v4;
	v3 =	vsel vm1, v3, v5;
	v2 =	vnsel vm2, $0xFF800000, v2  }
0x7d: {  	vm1 =	veq.f32 v2, v4;
	vm2 =	vlt.s32 v7, v3  }
0x7e: {  	v60 =	vld [tilespmem:s18+$0xFFFFFFF0];
	vm3 =	vgt.f32 v2, v4;
	vm1 =	vmand vm1, vm2  }
0x7f: {  	v61 =	vor.u32 s19, v0;
	vm2 =	vge.f32 v1, $3.000000120e-01;
	vm1 =	vmor vm3, vm1  }
0x80: {  	v1 =	vnsel vm2, $0xFF800000, v1;
	v4 =	vsel vm1, v2, v4;
	v3 =	vsel vm1, v7, v3  }
0x81: {  	v62 =	vld [tilespmem:s18+$0x0];
	vm1 =	veq.f32 v1, v4;
	vm2 =	vlt.s32 v61, v3  }
0x82: {  	s20 =	sadd.s32 $0x10, s19;
	vm3 =	vgt.f32 v1, v4;
	vm1 =	vmand vm2, vm1  }
0x83: {  	v8 =	vor.u32 s20, v0;
	vm2 =	vge.f32 v60, $3.000000120e-01;
	vm1 =	vmor vm3, vm1  }
0x84: {  	v5 =	vnsel vm2, $0xFF800000, v60;
	v4 =	vsel vm1, v1, v4;
	v3 =	vsel vm1, v61, v3  }
0x85: {  	vm1 =	veq.f32 v5, v4;
	vm2 =	vlt.s32 v8, v3  }
0x86: {  	v63 =	vld [tilespmem:s18+$0x10];
	vm3 =	vgt.f32 v5, v4;
	vm1 =	vmand vm1, vm2;
	vm2 =	vge.f32 v62, $3.000000120e-01  }
0x87: {  	s30 =	sadd.s32 $0x20, s19;
	vm1 =	vmor vm3, vm1;
	v7 =	vnsel vm2, $0xFF800000, v62  }
0x88: {  	v3 =	vsel vm1, v8, v3;
	v8 =	vor.u32 s30, v0;
	v4 =	vsel vm1, v5, v4  }
0x89: {  	vm1 =	veq.f32 v7, v4;
	vm2 =	vlt.s32 v8, v3  }
0x8a: {  	s31 =	sadd.s32 $0x30, s19;
	vm1 =	vmand vm1, vm2;
	vm2 =	vgt.f32 v7, v4  }
0x8b: {  	[tilespmem:s0+$0x10] =	vst v2;
	v2 =	vor.u32 s31, v0;
	vm1 =	vmor vm2, vm1;
	vm2 =	vge.f32 v63, $3.000000120e-01  }
0x8c: {  	v3 =	vsel vm1, v8, v3;
	v4 =	vsel vm1, v7, v4;
	v6 =	vnsel vm2, $0xFF800000, v63  }
0x8d: {  	[tilespmem:s18+$0xFFFFFFE0] =	vst v1;
	vm1 =	veq.f32 v6, v4;
	vm2 =	vlt.s32 v2, v3  }
0x8e: {  	[tilespmem:s18+$0xFFFFFFF0] =	vst v5;
	vm3 =	vgt.f32 v6, v4;
	vm1 =	vmand vm1, vm2  }
0x8f: {  	[tilespmem:s18+$0x0] =	vst v7;
	vm1 =	vmor vm3, vm1  }
0x90: {  	s0 =	simm.s32 $0x4DF0;
	[tilespmem:s18+$0x10] =	vst v6;
	v9 =	vsel vm1, v6, v4;
	v10 =	vsel vm1, v2, v3  }
.LBB2_9:
0x91: {  	v1 =	vld [tilespmem:s2+$0x0];
	_ =	sdelay $0x3  }
0x92: {  	s0 =	sadd.s32 $0x10, s0  }
0x93: {  	p0 =	slt.u32 s0, $0x4E10;
	vm1 =	vge.f32 v1, $3.000000120e-01  }
.Ltmp8:
0x94: {  	v2 =	vor.u32 s0, v0;
	v1 =	vnsel vm1, $0xFF800000, v1;
	(pc) =	sbr.rel @p0 .LBB2_9-.Ltmp8, $4  }
0x95: {  	vm2 =	vlt.s32 v2, v10;
	vm1 =	veq.f32 v1, v9  }
0x96: {  	vm3 =	vgt.f32 v1, v9;
	vm1 =	vmand vm2, vm1  }
0x97: {  	vm1 =	vmor vm3, vm1  }
0x98: {  	s18 =	simm.s32 $0x0;
	[tilespmem:s2+$0x0] =	vst v1;
	s2 =	sadd.s32 $0x10, s2;
	v9 =	vsel vm1, v1, v9;
	v10 =	vsel vm1, v2, v10;
	v1 =	vimm.s32 $0xFFFFFFFF  }
0x99: {  	v2 =	vimm.s32 $0xFFFFFFFF;
	s19 =	simm.s32 $0x0  }
.LBB2_11:
0x9a: {  	(xrf0) =	vmax.scan.msk.f32 $0xffff, v9;
	_ =	sdelay $0x5  }
0x9b: {  	v3, _, _ =	vpop (xrf0)  }
0x9c: {  	v4 =	vbroadcast v3, $0xF;
	_ =	sdelay $0x1  }
0x9d: {  	vm1 =	veq.f32 v9, v4;
	v4 =	vxor.u32 $0x80000000, v10  }
0x9e: {  	v4 =	vnsel vm1, $0xC0000000, v4  }
0x9f: {  	(xrf0) =	vmin.scan.msk.u32 $0xffff, v4;
	_ =	sdelay $0x5  }
0xa0: {  	(v2sf) =	vpush v3, $0xF;
	v3, _, _ =	vpop (xrf0)  }
0xa1: {  	(v2sf) =	vpush v3, $0xF;
	_ =	sdelay $0xd  }
0xa2: {  	s0 =	spop (v2sf)  }
0xa3: {  	s2 =	spop (v2sf)  }
0xa4: {  	s26 =	sand.u32 $0x1FE00, s18;
	p0 =	sgt.f32 s0, $-Inf;
	s20 =	sxor.u32 $0x80000000, s2  }
0xa5: {  	s22 =	simm.s32 $0x10;
	s24 =	sand.u32 $0x7, s18;
	s0 =	smov.u32 s20  }
0xa6: {  	s25 =	sand.u32 $0x50, s22;
	s24 =	sshll.u32 s24, $0x4;
	s0 =	simm.s32 @!p0 $0x0  }
0xa7: {  	s31 =	sor.u32 s25, s26;
	s28 =	sadd.s32 $0x0, s24;
	v3 =	vmov s0  }
0xa8: {  	p1 =	por $0x0, $0x0;
	v17 =	vld [tilespmem:s31+$0x0];
	s1 =	sadd.s32 $0x10, s28;
	v4 =	vshll.u32 v3, $0x2  }
0xa9: {  	s23 =	simm.s32 $0x0;
	v18 =	vld [tilespmem:s31+$0x80];
	s3 =	sor.u32 $0x100, s1;
	s0 =	simm.s32 $0x1;
	v5 =	vand.u32 $0x7F, v3;
	v4 =	vand.u32 $0xFFFFFE00, v4  }
0xaa: {  	s21 =	simm.s32 $0x0;
	s8 =	sand.u32 $0x40, s23;
	v19 =	vld [tilespmem:s3+$0x0];
	s0 =	simm.s32 @!p1 $0x0;
	v4 =	vor.u32 v5, v4  }
0xab: {  	v9 =	vld [tilespmem:s21+$0x18890];
	s2 =	sor.u32 s8, s26;
	s0 =	sshll.u32 s0, $0x6;
	v5 =	vor.u32 $0x80, v4  }
0xac: {  	v13 =	vld [tilespmem:s2+$0x0];
	s0 =	sadd.s32 $0x0, s0;
	v6 =	vor.u32 $0x100, v4  }
0xad: {  	v14 =	vld [tilespmem:s2+$0x80];
	v7 =	vor.u32 $0x180, v4;
	s15 =	sor.u32 $0x100, s0;
	s0 =	sor.u32 $0x180, s0  }
0xae: {  	v16 =	vld [tilespmem:s0+$0x0]  }
0xaf: {  	v4 =	vld.idx.msk [tilespmem:v4+s18+$0x0], $0xffff  }
0xb0: {  	s4 =	sand.u32 $0x3, s18;
	v5 =	vld.idx.msk [tilespmem:v5+s18+$0x0], $0xffff  }
0xb1: {  	s8 =	sshll.u32 s4, $0x5;
	v6 =	vld.idx.msk [tilespmem:v6+s18+$0x0], $0xffff  }
0xb2: {  	s31 =	sadd.s32 $0x0, s8;
	s0 =	sor.u32 $0x180, s1;
	v7 =	vld.idx.msk [tilespmem:v7+s18+$0x0], $0xffff  }
0xb3: {  	v20 =	vld [tilespmem:s0+$0x0];
	s0 =	sadd.s32 $0x20, s31  }
0xb4: {  	v15 =	vld [tilespmem:s15+$0x0];
	s3 =	sor.u32 $0x100, s0  }
0xb5: {  	s0 =	sor.u32 $0x180, s0;
	v23 =	vld [tilespmem:s3+$0x0]  }
0xb6: {  	s25 =	simm.s32 $0x20;
	vm1 =	vmmov vm0;
	v24 =	vld [tilespmem:s0+$0x0]  }
0xb7: {  	v11 =	vld [tilespmem:s21+$0x18880];
	vm1 =	vmneg @p0 vm1;
	s15 =	sand.u32 $0x60, s25;
	v8 =	vsub.f32 v6, v4;
	v12 =	vsub.f32 v7, v5  }
0xb8: {  	s1 =	sor.u32 s15, s26;
	v13 =	vmax.f32 v4, v13;
	v22 =	vmax.f32 v4, v17;
	v14 =	vmax.f32 v5, v14  }
0xb9: {  	v21 =	vld [tilespmem:s1+$0x0];
	v15 =	vmin.f32 v6, v15;
	v16 =	vmin.f32 v7, v16;
	v8 =	vmul.f32 v12, v8  }
0xba: {  	s24 =	simm.s32 $0x30;
	v18 =	vmax.f32 v5, v18;
	v13 =	vsub.f32 v15, v13;
	v14 =	vsub.f32 v16, v14;
	v15 =	vld [tilespmem:s1+$0x80]  }
0xbb: {  	v10 =	vld [tilespmem:s21+$0x188A0];
	s4 =	sand.u32 $0x70, s24;
	v23 =	vmin.f32 v6, v23;
	v24 =	vmin.f32 v7, v24;
	v12 =	vadd.f32 v9, v8  }
0xbc: {  	p2 =	por $0x1, $0x1;
	s8 =	sor.u32 s4, s26;
	v16 =	vadd.f32 v11, v8;
	v11 =	vmax.f32 v13, $0.0e+00;
	v13 =	vmax.f32 v14, $0.0e+00  }
.Ltmp9:
0xbd: {  	s15 =	sadd.s32 $0x30, s28;
	v17 =	vld [tilespmem:s8+$0x0];
	v14 =	vmin.f32 v6, v19;
	v19 =	vmin.f32 v7, v20;
	v13 =	vmul.f32 v13, v11;
	(pc) =	sbr.rel @!p2 .LBB2_13-.Ltmp9, $4  }
0xbe: {  	s26 =	sor.u32 $0x100, s15;
	v9 =	vimm.f32 $-Inf;
	v14 =	vsub.f32 v14, v22;
	v19 =	vsub.f32 v19, v18;
	v18 =	vld [tilespmem:s8+$0x80]  }
0xbf: {  	s31 =	sor.u32 $0x180, s15;
	v20 =	vmax.f32 v4, v21;
	v21 =	vmax.f32 v5, v15;
	v15 =	vld [tilespmem:s26+$0x0];
	v16 =	vsub.f32 v16, v13  }
0xc0: {  	s29 =	simm.s32 $0x0;
	v10 =	vadd.f32 v10, v8;
	v25 =	vmax.f32 v14, $0.0e+00;
	v26 =	vmax.f32 v19, $0.0e+00;
	v19 =	vld [tilespmem:s31+$0x0]  }
0xc1: {  	s30 =	simm.s32 $0x0;
	s28 =	simm.s32 $0x30;
	v11 =	vimm.s32 $0x40000000;
	s26 =	simm.s32 $0x100;
	v14 =	vld [tilespmem:s21+$0x13A00];
	v22 =	vadd.f32 $9.999999710e-10, v16;
	v16 =	vmul.f32 v26, v25  }
.LBB2_12:
0xc2: {  	s31 =	sshra.s32 s26, $0x2;
	v20 =	vsub.f32 v23, v20;
	v21 =	vsub.f32 v24, v21;
	v23 =	vld [tilespmem:s21+$0x188B0];
	v17 =	vmax.f32 v4, v17;
	s28 =	sadd.s32 $0x40, s28  }
0xc3: {  	s0 =	sand.u32 $0x1FE00, s26;
	s3 =	sadd.s32 $0xFFFFFFD0, s28;
	v24 =	vld [tilespmem:s31+$0x188A0];
	v12 =	vsub.f32 v12, v16;
	v18 =	vmax.f32 v5, v18;
	(erf) = vrcp.f32 v22  }
0xc4: {  	p1 =	por !p1, !p1;
	s2 =	sand.u32 $0x40, s3;
	v22 =	vld [tilespmem:s31+$0x18890];
	p2 =	slt.u32 s3, $0x4DC0;
	v20 =	vmax.f32 v20, $0.0e+00;
	v21 =	vmax.f32 v21, $0.0e+00;
	v15 =	vmin.f32 v6, v15  }
0xc5: {  	s15 =	simm.s32 $0x1;
	s8 =	sadd.s32 $0xFFFFFFE0, s28;
	s2 =	sor.u32 s2, s0;
	v25 =	vld [tilespmem:s31+$0x18880];
	v12 =	vadd.f32 $9.999999710e-10, v12;
	v20 =	vmul.f32 v21, v20;
	v19 =	vmin.f32 v7, v19  }
0xc6: {  	s29 =	sadd.s32 $0x4, s29;
	s15 =	simm.s32 @!p1 $0x0;
	s1 =	sand.u32 $0x50, s8;
	v17 =	vsub.f32 v15, v17;
	v15 =	vor.u32 s24, v0;
	v21 =	vld [tilespmem:s2+$0x0];
	v18 =	vsub.f32 v19, v18  }
0xc7: {  	v26 =	vor.u32 s23, v0;
	s15 =	sshll.u32 s15, $0x6;
	s24 =	sand.u32 $0x7, s29;
	s1 =	sor.u32 s1, s0;
	v19 =	vld [tilespmem:s2+$0x80];
	v10 =	vsub.f32 v10, v20;
	(erf) = vrcp.f32 v12  }
0xc8: {  	s15 =	sadd.s32 s15, s26;
	vm2 =	veq.s32 v15, v3;
	s2 =	sshll.u32 s24, $0x4;
	v12 =	vmax.f32 v17, $0.0e+00;
	s24 =	smov.u32 s28;
	v27 =	vld [tilespmem:s1+$0x0];
	v17 =	vmax.f32 v18, $0.0e+00  }
0xc9: {  	s23 =	smov.u32 s3;
	s4 =	sor.u32 $0x100, s15;
	s2 =	sadd.s32 s26, s2;
	v18 =	vld [tilespmem:s1+$0x80];
	v10 =	vadd.f32 $9.999999710e-10, v10;
	v17 =	vmul.f32 v17, v12;
	v12 =	vadd.f32 v23, v8  }
0xca: {  	v28 =	vor.u32 s22, v0;
	v29 =	vor.u32 s25, v0;
	vm5 =	veq.s32 v26, v3;
	s22 =	smov.u32 s8;
	s1 =	sor.u32 $0x180, s15;
	s3 =	sadd.s32 $0x10, s2;
	v23 =	vld [tilespmem:s4+$0x0]  }
0xcb: {  	vm3 =	veq.s32 v29, v3;
	v30 =	vld [tilespmem:s1+$0x0];
	s1 =	sor.u32 $0x100, s3;
	v31 =	vsub.f32 v12, v17;
	(erf) = vrcp.f32 v10  }
0xcc: {  	vm4 =	veq.s32 v28, v3;
	v12 =	vadd.f32 v22, v8;
	v10 =	vadd.f32 v24, v8;
	v32 =	vld [tilespmem:s1+$0x0];
	s1 =	sor.u32 $0x180, s3;
	v22 =	vpop (erf)  }
0xcd: {  	v24 =	vadd.f32 v25, v8;
	v25 =	vld [tilespmem:s1+$0x0];
	v13 =	vmul.f32 v22, v13;
	v22 =	vadd.f32 $9.999999710e-10, v31  }
0xce: {  	v21 =	vmax.f32 v4, v21;
	v19 =	vmax.f32 v5, v19;
	v27 =	vmax.f32 v4, v27  }
0xcf: {  	v18 =	vmax.f32 v5, v18;
	vm6 =	vgt.f32 v13, $1.000000010e-01;
	(erf) = vrcp.f32 v22  }
0xd0: {  	v13 =	vmin.f32 v6, v23;
	v22 =	vmin.f32 v7, v30;
	vm6 =	vmand vm1, vm6;
	v23 =	vpop (erf)  }
0xd1: {  	v30 =	vmin.f32 v6, v32;
	vm5 =	vmor vm5, vm6;
	v31 =	vld [tilespmem:s21+$0x13A10];
	v23 =	vmul.f32 v23, v16  }
0xd2: {  	v13 =	vsub.f32 v13, v21;
	v21 =	vmin.f32 v7, v25;
	v14 =	vsel vm5, $0xFF800000, v14  }
0xd3: {  	vm6 =	vlt.s32 v26, v11;
	[tilespmem:s21+$0x13A00] =	vst v14;
	vm5 =	veq.f32 v14, v9;
	vm7 =	vgt.f32 v23, $1.000000010e-01  }
0xd4: {  	vm8 =	vgt.f32 v14, v9;
	vm5 =	vmand vm6, vm5;
	vm6 =	vmand vm1, vm7;
	v16 =	vpop (erf)  }
0xd5: {  	vm5 =	vmor vm8, vm5;
	vm4 =	vmor vm4, vm6;
	v23 =	vld [tilespmem:s21+$0x13A20];
	v20 =	vmul.f32 v16, v20  }
0xd6: {  	v9 =	vsel vm5, v14, v9;
	v11 =	vsel vm5, v26, v11;
	v14 =	vsel vm4, $0xFF800000, v31  }
0xd7: {  	[tilespmem:s21+$0x13A10] =	vst v14;
	vm4 =	veq.f32 v14, v9;
	vm5 =	vlt.s32 v28, v11;
	vm6 =	vgt.f32 v20, $1.000000010e-01  }
0xd8: {  	vm7 =	vgt.f32 v14, v9;
	vm4 =	vmand vm5, vm4;
	vm5 =	vmand vm1, vm6;
	v16 =	vpop (erf)  }
0xd9: {  	s30 =	sadd.s32 $0x2, s30;
	vm4 =	vmor vm7, vm4;
	vm3 =	vmor vm3, vm5;
	v20 =	vld [tilespmem:s21+$0x13A30];
	v16 =	vmul.f32 v16, v17  }
0xda: {  	s25 =	sadd.s32 $0xFFFFFFF0, s28;
	s1 =	sand.u32 $0x3, s30;
	v9 =	vsel vm4, v14, v9;
	v11 =	vsel vm4, v28, v11;
	v14 =	vsel vm3, $0xFF800000, v23  }
0xdb: {  	s3 =	sand.u32 $0x60, s25;
	s1 =	sshll.u32 s1, $0x5;
	[tilespmem:s21+$0x13A20] =	vst v14;
	vm3 =	veq.f32 v14, v9;
	vm4 =	vlt.s32 v29, v11;
	vm5 =	vgt.f32 v16, $1.000000010e-01  }
0xdc: {  	s3 =	sor.u32 s3, s0;
	s1 =	sadd.s32 s26, s1;
	vm6 =	vgt.f32 v14, v9;
	vm3 =	vmand vm4, vm3;
	vm4 =	vmand vm1, vm5  }
0xdd: {  	s1 =	sadd.s32 $0x20, s1;
	v16 =	vsub.f32 v22, v19;
	v19 =	vld [tilespmem:s3+$0x0];
	vm3 =	vmor vm6, vm3;
	vm2 =	vmor vm2, vm4  }
0xde: {  	v22 =	vld [tilespmem:s3+$0x80];
	s3 =	sor.u32 $0x100, s1;
	v9 =	vsel vm3, v14, v9;
	v11 =	vsel vm3, v29, v11;
	v14 =	vsel vm2, $0xFF800000, v20  }
0xdf: {  	v13 =	vmax.f32 v13, $0.0e+00;
	s1 =	sor.u32 $0x180, s1;
	v23 =	vld [tilespmem:s3+$0x0];
	s3 =	sand.u32 $0x70, s28;
	[tilespmem:s21+$0x13A30] =	vst v14;
	vm2 =	veq.f32 v14, v9;
	vm3 =	vlt.s32 v15, v11;
	s21 =	smov.u32 s31  }
0xe0: {  	v16 =	vmax.f32 v16, $0.0e+00;
	vm4 =	vgt.f32 v14, v9;
	v25 =	vld [tilespmem:s1+$0x0];
	s0 =	sor.u32 s3, s0;
	vm2 =	vmand vm3, vm2  }
.Ltmp10:
0xe1: {  	v13 =	vmul.f32 v16, v13;
	v16 =	vsub.f32 v30, v27;
	s1 =	sadd.s32 $0x30, s2;
	v17 =	vld [tilespmem:s0+$0x0];
	vm2 =	vmor vm4, vm2;
	(pc) =	sbr.rel @p2 .LBB2_12-.Ltmp10, $4  }
0xe2: {  	v26 =	vsub.f32 v21, v18;
	v18 =	vld [tilespmem:s0+$0x80];
	s0 =	sor.u32 $0x100, s1;
	v9 =	vsel vm2, v14, v9;
	v11 =	vsel vm2, v15, v11  }
0xe3: {  	v24 =	vsub.f32 v24, v13;
	v20 =	vmax.f32 v4, v19;
	v21 =	vmax.f32 v5, v22;
	v15 =	vld [tilespmem:s0+$0x0];
	s0 =	sor.u32 $0x180, s1  }
0xe4: {  	v26 =	vmax.f32 v26, $0.0e+00;
	v16 =	vmax.f32 v16, $0.0e+00;
	v23 =	vmin.f32 v6, v23;
	v19 =	vld [tilespmem:s0+$0x0]  }
0xe5: {  	s26 =	sadd.s32 $0x100, s26;
	v16 =	vmul.f32 v26, v16;
	v22 =	vadd.f32 $9.999999710e-10, v24;
	v14 =	vld [tilespmem:s21+$0x13A00];
	v24 =	vmin.f32 v7, v25  }
.LBB2_13:
0xe6: {  	v20 =	vsub.f32 v23, v20;
	v21 =	vsub.f32 v24, v21  }
0xe7: {  	v17 =	vmax.f32 v4, v17;
	v12 =	vsub.f32 v12, v16  }
0xe8: {  	(erf) = vrcp.f32 v22;
	v20 =	vmax.f32 v20, $0.0e+00;
	v21 =	vmax.f32 v21, $0.0e+00  }
0xe9: {  	v47 =	vld [tilespmem:s21+$0x188B0];
	v18 =	vmax.f32 v5, v18;
	v15 =	vmin.f32 v6, v15;
	v20 =	vmul.f32 v21, v20  }
0xea: {  	v12 =	vadd.f32 $9.999999710e-10, v12;
	v19 =	vmin.f32 v7, v19;
	v15 =	vsub.f32 v15, v17  }
0xeb: {  	v48 =	vsub.f32 v19, v18;
	v10 =	vsub.f32 v10, v20  }
0xec: {  	(erf) = vrcp.f32 v12  }
0xed: {  	v49 =	vmax.f32 v15, $0.0e+00;
	v50 =	vmax.f32 v48, $0.0e+00;
	v10 =	vadd.f32 $9.999999710e-10, v10  }
0xee: {  	v51 =	vadd.f32 v47, v8;
	v12 =	vmul.f32 v50, v49;
	_ =	sdelay $0x1  }
0xef: {  	v15 =	vsub.f32 v51, v12;
	(erf) = vrcp.f32 v10  }
0xf0: {  	v10 =	vpop (erf)  }
0xf1: {  	v52 =	vadd.f32 $9.999999710e-10, v15;
	v10 =	vmul.f32 v10, v13  }
0xf2: {  	v53 =	vor.u32 s24, v0;
	v54 =	vor.u32 s23, v0  }
0xf3: {  	v56 =	vor.u32 s25, v0;
	(erf) = vrcp.f32 v52;
	vm3 =	vgt.f32 v10, $1.000000010e-01  }
0xf4: {  	vm2 =	veq.s32 v53, v3;
	vm4 =	veq.s32 v54, v3;
	v55 =	vpop (erf);
	vm3 =	vmand vm1, vm3  }
0xf5: {  	v57 =	vld [tilespmem:s21+$0x13A10];
	vm12 =	veq.s32 v56, v3;
	v13 =	vmul.f32 v55, v16;
	vm3 =	vmor vm4, vm3  }
0xf6: {  	vm6 =	vlt.s32 v54, v11;
	v10 =	vor.u32 s22, v0;
	v14 =	vsel vm3, $0xFF800000, v14  }
0xf7: {  	vm5 =	veq.s32 v10, v3;
	vm7 =	vgt.f32 v13, $1.000000010e-01;
	vm3 =	veq.f32 v14, v9  }
0xf8: {  	vm8 =	vgt.f32 v14, v9;
	vm13 =	vmand vm1, vm7;
	v58 =	vpop (erf);
	vm3 =	vmand vm6, vm3  }
0xf9: {  	v59 =	vld [tilespmem:s21+$0x13A20];
	vm5 =	vmor vm5, vm13;
	v13 =	vmul.f32 v58, v20;
	vm3 =	vmor vm8, vm3  }
0xfa: {  	v60 =	vsel vm5, $0xFF800000, v57;
	v9 =	vsel vm3, v14, v9;
	v11 =	vsel vm3, v54, v11  }
0xfb: {  	vm15 =	vgt.f32 v13, $1.000000010e-01;
	vm3 =	veq.f32 v60, v9;
	vm14 =	vlt.s32 v10, v11  }
0xfc: {  	vm9 =	vgt.f32 v60, v9;
	vm10 =	vmand vm1, vm15;
	v61 =	vpop (erf);
	vm3 =	vmand vm14, vm3  }
0xfd: {  	v62 =	vld [tilespmem:s21+$0x13A30];
	vm4 =	vmor vm12, vm10;
	v12 =	vmul.f32 v61, v12;
	vm3 =	vmor vm9, vm3  }
0xfe: {  	v9 =	vsel vm3, v60, v9;
	v10 =	vsel vm3, v10, v11;
	v11 =	vsel vm4, $0xFF800000, v59  }
0xff: {  	vm12 =	vgt.f32 v12, $1.000000010e-01;
	vm3 =	veq.f32 v11, v9;
	vm11 =	vlt.s32 v56, v10  }
0x100: {  	vm13 =	vgt.f32 v11, v9;
	vm14 =	vmand vm1, vm12;
	vm3 =	vmand vm11, vm3  }
0x101: {  	vm2 =	vmor vm2, vm14;
	vm3 =	vmor vm13, vm3  }
0x102: {  	v63 =	vsel vm2, $0xFF800000, v62;
	v9 =	vsel vm3, v11, v9;
	v10 =	vsel vm3, v56, v10  }
0x103: {  	[tilespmem:s21+$0x13A00] =	vst v14;
	vm2 =	veq.f32 v63, v9;
	vm3 =	vlt.s32 v53, v10  }
0x104: {  	[tilespmem:s21+$0x13A10] =	vst v60;
	vm15 =	vgt.f32 v63, v9;
	vm2 =	vmand vm3, vm2  }
0x105: {  	[tilespmem:s21+$0x13A20] =	vst v11;
	vm2 =	vmor vm15, vm2  }
0x106: {  	s0 =	simm.s32 $0x4DF0;
	s2 =	simm.s32 $0x13800;
	[tilespmem:s21+$0x13A30] =	vst v63;
	v9 =	vsel vm2, v63, v9;
	v10 =	vsel vm2, v53, v10  }
.LBB2_14:
0x107: {  	s1 =	sand.u32 $0x3FFFFE00, s2;
	s3 =	sshra.s32 s2, $0x2  }
0x108: {  	s1 =	sadd.s32 s3, s1  }
0x109: {  	v11 =	vld [tilespmem:s1+$0xFFFFB200]  }
0x10a: {  	v12 =	vld [tilespmem:s1+$0xFFFFB280]  }
0x10b: {  	v13 =	vld [tilespmem:s1+$0xFFFFB300]  }
0x10c: {  	v14 =	vld [tilespmem:s1+$0xFFFFB380];
	_ =	sdelay $0x3  }
0x10d: {  	v15 =	vld [tilespmem:s3+$0x18880];
	v11 =	vmax.f32 v4, v11  }
0x10e: {  	v12 =	vmax.f32 v5, v12;
	v13 =	vmin.f32 v6, v13;
	v14 =	vmin.f32 v7, v14  }
0x10f: {  	v11 =	vsub.f32 v13, v11;
	v12 =	vsub.f32 v14, v12;
	_ =	sdelay $0x1  }
0x110: {  	v11 =	vmax.f32 v11, $0.0e+00;
	v12 =	vmax.f32 v12, $0.0e+00  }
0x111: {  	v61 =	vadd.f32 v15, v8;
	v11 =	vmul.f32 v12, v11;
	_ =	sdelay $0x1  }
0x112: {  	v12 =	vsub.f32 v61, v11;
	_ =	sdelay $0x1  }
0x113: {  	v12 =	vadd.f32 $9.999999710e-10, v12;
	_ =	sdelay $0x1  }
0x114: {  	(erf) = vrcp.f32 v12;
	_ =	sdelay $0x8  }
0x115: {  	v12 =	vpop (erf)  }
0x116: {  	v62 =	vld [tilespmem:s3+$0x13A00];
	v11 =	vmul.f32 v12, v11  }
0x117: {  	s0 =	sadd.s32 $0x10, s0  }
0x118: {  	v63 =	vor.u32 s0, v0;
	vm2 =	vgt.f32 v11, $1.000000010e-01  }
0x119: {  	vm3 =	veq.s32 v63, v3;
	vm2 =	vmand vm1, vm2  }
0x11a: {  	p1 =	slt.u32 s0, $0x4E10;
	vm2 =	vmor vm3, vm2  }
.Ltmp11:
0x11b: {  	v11 =	vsel vm2, $0xFF800000, v62;
	(pc) =	sbr.rel @p1 .LBB2_14-.Ltmp11, $4  }
0x11c: {  	vm3 =	vlt.s32 v63, v10;
	vm2 =	veq.f32 v11, v9  }
0x11d: {  	vm4 =	vgt.f32 v11, v9;
	vm2 =	vmand vm3, vm2  }
0x11e: {  	vm2 =	vmor vm4, vm2  }
0x11f: {  	s2 =	sadd.s32 $0x40, s2;
	[tilespmem:s3+$0x13A00] =	vst v11;
	v9 =	vsel vm2, v11, v9;
	v10 =	vsel vm2, v63, v10  }
0x120: {  	v3 =	vmov s19;
	s0 =	sadd.s32 $0xFFFFFFF0, s19;
	s19 =	sadd.s32 $0x1, s19  }
0x121: {  	s20 =	simm.s32 @!p0 $0xFFFFFFFF;
	p0 =	sne.s32 s19, $0x14  }
.Ltmp12:
0x122: {  	_ = 	snop;
	(pc) =	sbr.rel @p0 .LBB2_11-.Ltmp12, $4  }
0x123: {  	_ = 	snop  }
0x124: {  	v4 =	vmov s0  }
0x125: {  	vm1 =	veq.s32 v3, v0;
	vm2 =	veq.s32 v4, v0  }
0x126: {  	v2 =	vsel vm1, s20, v2;
	v1 =	vsel vm2, s20, v1  }
0x127: {  	s0 =	sshll.u32 s17, $0xA  }
0x128: {  	s0 =	sor.u32 s7, s0  }
0x129: {  	[tilespmem:$0x1D700] =	vst v2;
	s1 =	rddreg [dreg:$0x2];
	s0 =	sshrl.u32 s0, $0x3  }
.Ltmp13:
0x12a: {  	[tilespmem:$0x1D710] =	vst v1;
	s0 =	sadd.s32 s1, s0;
	(pc) =	sbr.rel .LBB2_17-.Ltmp13, $4  }
0x12b: {  	[hbm4b:s0+s5] =	stream.linear.scatter [tilespmem:s14], [sflag:$0x1], $0x80, $0x38;
	[tilespmem:$0x1D780] =	vst v63  }
0x12c: {  	_ =	swait.ge [sflag:s9], $0x80  }
0x12d: {  	[sflag:s9] =	ssyncset.done $0x0  }
0x12e: {  	[sflag:s9] =	ssyncadd.s32 $0xFFFFFF80  }
.LBB2_19:
0x12f: {  	_ =	sfence.sel $0x180000  }
0x130: {  	[bflag:$0x0] =	sbarrier.arrive $0xFFFF  }
0x131: {  	_ =	strace $0x90000047  }
0x132: {  	s0 =	stileid.u32;
	[bflag:$0x2] =	sbarrier.arrive $0xFFFF  }
0x133: {  	p0 =	sne.s32 s0, $0x0;
	s0 =	rddreg [dreg:$0x3]  }
0x134: {  	s0 =	sadd.s32 @!p0 $0x100000, s0  }
0x135: {  	[sflag:s0] =	ssyncadd.tile.s32 @!p0 $0x1;
	_ =	shalt  }
.Lfunc_end2:
_tile_overlayer_lowered:
.L_overlay_start_2:
0x136: {  	(tag) =	ssettag $0x2  }
0x137: {  	s0 =	rddreg [dreg:$0x0];
	s2 =	stileid.u32  }
0x138: {  	s1 =	rddreg [dreg:$0x1];
	p0 =	sne.s32 s2, $0x0  }
0x139: {  	s3 =	rddreg [dreg:$0x2];
	[bflag:$0x3] =	sbarrier.arrive $0xFFFF;
	s2 =	simm.s32 @!p0 $0x1C01  }
0x13a: {  	[timem:s3], [sflag:s2] =	dma.local @!p0 [hbm:s0], s1  }
0x13b: {  	s0 =	simm.s32 @!p0 $0x1  }
0x13c: {  	_ =	swait.ge @!p0 [sflag:s0], s1  }
0x13d: {  	s1 =	ssub.s32 @!p0 $0x0, s1;
	[sflag:s0] =	ssyncset.done @!p0 $0x0  }
0x13e: {  	[sflag:s0] =	ssyncadd.s32 @!p0 s1  }
0x13f: {  	[bflag:$0x3] =	sbarrier.arrive $0xFFFF  }
0x140: {  	_ =	shalt  }

</sc_bundles>
